<compile_context>
chip_gen: v7x
topology: tpu7x:2x2x1
jax: 0.10.2.dev20260603
libtpu: 0.0.44.dev20260713+nightly
codegen_flags: <defaults>
</compile_context>

<pallas_src>
import functools

import jax
import jax.numpy as jnp
from jax import lax
from jax.experimental import pallas as pl
from jax.experimental.pallas import tpu as pltpu
from jax.experimental.pallas import tpu_sc as plsc

LN2 = 0.6931471805599453
NEG = -3.0e38
NT = 32
ECH = 6400


def _sp(v):
    return jnp.maximum(v, 0.0) + jnp.log(1.0 + jnp.exp(-jnp.abs(v)))


def _sc_mesh():
    return plsc.VectorSubcoreMesh(core_axis_name="c", subcore_axis_name="s",
                                  num_cores=2, num_subcores=16)



def _tc0_body(x_ref, ea_ref, ei_ref, embA_ref, embB_ref, Wb_ref,
              aT_ref, A1T_ref, Bm1T_ref, packed_ref):
    nA = embA_ref.shape[0]
    nB = embB_ref.shape[0]
    n = x_ref.shape[1]
    d = embA_ref.shape[1]
    ohA = (lax.broadcasted_iota(jnp.int32, (nA, n), 0) == x_ref[...]
           ).astype(jnp.float32)
    aT_ref[...] = _sp(lax.dot_general(
        embA_ref[...], ohA, (((0,), (0,)), ((), ())),
        preferred_element_type=jnp.float32,
        precision=lax.Precision.HIGHEST))
    ohB = (lax.broadcasted_iota(jnp.int32, (nB, n), 0) == ea_ref[...]
           ).astype(jnp.float32)
    bT = _sp(lax.dot_general(
        embB_ref[...], ohB, (((0,), (0,)), ((), ())),
        preferred_element_type=jnp.float32,
        precision=lax.Precision.HIGHEST))
    Wb = Wb_ref[...]
    W2b = Wb[d:, :]
    Wd = Wb[:d, :] - W2b
    A1T_ref[...] = lax.dot_general(Wd, bT, (((0,), (0,)), ((), ())),
                                   preferred_element_type=jnp.float32,
        precision=lax.Precision.HIGHEST)
    Bm1T_ref[...] = lax.dot_general(W2b, bT, (((0,), (0,)), ((), ())),
                                    preferred_element_type=jnp.float32,
        precision=lax.Precision.HIGHEST)
    packed_ref[...] = ei_ref[1:2, :] * 65536 + ei_ref[0:1, :]


def _tc_nb_body(with_next, AT_ref, maxT_ref, deg_ref, bb_ref, Wb_ref,
                nbT_ref, *next_refs):
    d = AT_ref.shape[0]
    nb = jnp.where(deg_ref[...] > 0.0,
                   _sp(AT_ref[...] + maxT_ref[...] + bb_ref[...]),
                   LN2)
    nbT_ref[...] = nb
    if with_next:
        A2T_ref, Bm2T_ref = next_refs
        Wb = Wb_ref[...]
        W2b = Wb[d:, :]
        Wd = Wb[:d, :] - W2b
        A2T_ref[...] = lax.dot_general(Wd, nb, (((0,), (0,)), ((), ())),
                                       preferred_element_type=jnp.float32,
        precision=lax.Precision.HIGHEST)
        Bm2T_ref[...] = lax.dot_general(W2b, nb, (((0,), (0,)), ((), ())),
                                        preferred_element_type=jnp.float32,
        precision=lax.Precision.HIGHEST)


def _agg2(sumAT, sumbT, deg, degs, Wm, We, bsum):
    sbf = sumbT + LN2 * (deg - degs)
    return (lax.dot_general(Wm, sumAT, (((0,), (0,)), ((), ())),
                            preferred_element_type=jnp.float32,
        precision=lax.Precision.HIGHEST)
            + lax.dot_general(We, sbf, (((0,), (0,)), ((), ())),
                              preferred_element_type=jnp.float32,
        precision=lax.Precision.HIGHEST)
            + deg * bsum)


def _tc2_body(sumAT_ref, sumbT_ref, deg_ref, degs_ref, aprevT_ref,
              Wm_ref, We_ref, bsum_ref, aT_ref):
    agg = _agg2(sumAT_ref[...], sumbT_ref[...], deg_ref[...], degs_ref[...],
                Wm_ref[...], We_ref[...], bsum_ref[...])
    aT_ref[...] = _sp(agg + aprevT_ref[...])


def _tc3_body(AT_ref, maxT_ref, deg_ref, bb_ref, fill_ref,
              nbT_ref, ob_ref):
    nb = jnp.where(deg_ref[...] > 0.0,
                   _sp(AT_ref[...] + maxT_ref[...] + bb_ref[...]),
                   LN2)
    nbT_ref[...] = nb
    ob_ref[...] = jnp.transpose(nb, (1, 0))


def _tc4_body(sumAT_ref, sumbT_ref, deg_ref, degs_ref, aprevT_ref,
              Wm_ref, We_ref, bsum_ref, batch_ref,
              W1_ref, b1_ref, W2_ref, b2_ref, W3_ref, b3_ref,
              outT_ref, atom_ref):
    n = sumAT_ref.shape[1]
    ng = 256
    agg = _agg2(sumAT_ref[...], sumbT_ref[...], deg_ref[...], degs_ref[...],
                Wm_ref[...], We_ref[...], bsum_ref[...])
    a2 = _sp(agg + aprevT_ref[...])
    atom_ref[...] = jnp.transpose(a2, (1, 0))
    ohg = (lax.broadcasted_iota(jnp.int32, (ng, n), 0) == batch_ref[...]
           ).astype(jnp.float32)
    pooledT = lax.dot_general(a2, ohg, (((1,), (1,)), ((), ())),
                              preferred_element_type=jnp.float32,
        precision=lax.Precision.HIGHEST)
    h = _sp(lax.dot_general(W1_ref[...], pooledT, (((0,), (0,)), ((), ())),
                            preferred_element_type=jnp.float32,
        precision=lax.Precision.HIGHEST)
            + b1_ref[...])
    h = _sp(lax.dot_general(W2_ref[...], h, (((0,), (0,)), ((), ())),
                            preferred_element_type=jnp.float32,
        precision=lax.Precision.HIGHEST)
            + b2_ref[...])
    outT_ref[...] = lax.dot_general(W3_ref[...], h, (((0,), (0,)), ((), ())),
                                    preferred_element_type=jnp.float32,
        precision=lax.Precision.HIGHEST) \
        + b3_ref[...]


def _fill_body(ob_ref):
    ob_ref[...] = jnp.full(ob_ref.shape, LN2, jnp.float32)



def _make_edge_pass(n_nodes, n_edges, d, with_deg):
    cpt = d // NT
    outs = [jax.ShapeDtypeStruct((d * n_nodes,), jnp.float32),
            jax.ShapeDtypeStruct((d * n_nodes,), jnp.float32)]
    scratch = [pltpu.VMEM((cpt * n_nodes,), jnp.float32),
               pltpu.VMEM((cpt * n_nodes,), jnp.float32),
               pltpu.VMEM((ECH,), jnp.int32)]
    if with_deg:
        outs.append(jax.ShapeDtypeStruct((n_nodes,), jnp.float32))
        scratch.append(pltpu.VMEM((n_nodes,), jnp.float32))

    @functools.partial(
        pl.kernel, out_type=tuple(outs), mesh=_sc_mesh(),
        scratch_types=scratch,
        compiler_params=pltpu.CompilerParams(needs_layout_passes=False))
    def edge_pass(packed, bmT, aT, maxT, sumT, *rest):
        if with_deg:
            degO, tin, tout, ebuf, degv = rest
        else:
            tin, tout, ebuf = rest
        cid = lax.axis_index("c")
        sid = lax.axis_index("s")
        wid = sid * 2 + cid
        base = wid * cpt * n_nodes
        offs = [jnp.full((16,), c * n_nodes, jnp.int32) for c in range(cpt)]
        ones16 = jnp.full((16,), 1.0, jnp.float32)

        def zero_tbl(tbl, val):
            nv = tbl.shape[0] // 16

            @functools.partial(plsc.parallel_loop, 0, nv, unroll=4)
            def _(j):
                tbl[pl.ds(j * 16, 16)] = jnp.full((16,), val, jnp.float32)

        def edge_loop(per_group, parallel):
            def chunk_body(ch, _):
                pltpu.sync_copy(packed.at[pl.ds(ch * ECH, ECH)], ebuf)

                def grp_body(g):
                    p = ebuf[pl.ds(g * 16, 16)]
                    dct = lax.shift_right_logical(p, 16)
                    srcv = lax.bitwise_and(p, 65535)
                    per_group(dct, srcv)

                if parallel:
                    @functools.partial(plsc.parallel_loop, 0, ECH // 16,
                                       unroll=4)
                    def _(g):
                        grp_body(g)
                else:
                    def grp(g, _):
                        grp_body(g)
                        return 0
                    lax.fori_loop(0, ECH // 16, grp, 0)
                return 0
            lax.fori_loop(0, n_edges // ECH, chunk_body, 0)

        pltpu.sync_copy(bmT.at[pl.ds(base, cpt * n_nodes)], tin)
        zero_tbl(tout, NEG)
        if with_deg:
            @functools.partial(plsc.parallel_loop, 0, n_nodes // 16, unroll=5)
            def _(j):
                degv[pl.ds(j * 16, 16)] = jnp.zeros((16,), jnp.float32)

        def max_group(dct, srcv):
            gs = [plsc.load_gather(tin, [offs[c] + srcv]) for c in range(cpt)]
            dis = [offs[c] + dct for c in range(cpt)]
            _, lastm = plsc.scan_count(dct)
            cur = tuple(plsc.load_gather(tout, [dis[c]])
                        for c in range(cpt))
            for c in range(cpt):
                plsc.store_scatter(tout, [dis[c]], gs[c],
                                   mask=gs[c] > cur[c])

            @pl.when(jnp.logical_not(jnp.all(lastm)))
            def _():
                def cond(cu):
                    acc = jnp.any(gs[0] > cu[0])
                    for c in range(1, cpt):
                        acc = jnp.logical_or(acc, jnp.any(gs[c] > cu[c]))
                    return acc

                def bodyw(cu):
                    for c in range(cpt):
                        plsc.store_scatter(tout, [dis[c]], gs[c],
                                           mask=gs[c] > cu[c])
                    return tuple(plsc.load_gather(tout, [dis[c]])
                                 for c in range(cpt))
                lax.while_loop(
                    cond, bodyw,
                    tuple(plsc.load_gather(tout, [dis[c]])
                          for c in range(cpt)))

        edge_loop(max_group, False)
        pltpu.sync_copy(tout, maxT.at[pl.ds(base, cpt * n_nodes)])
        if with_deg:
            @pl.when(wid == 0)
            def _():
                pltpu.sync_copy(degv, degO)

        pltpu.sync_copy(aT.at[pl.ds(base, cpt * n_nodes)], tin)
        zero_tbl(tout, 0.0)

        def sum_group(dct, srcv):
            if with_deg:
                plsc.addupdate_scatter(degv, [dct], ones16)
            for c in range(cpt):
                gv = plsc.load_gather(tin, [offs[c] + srcv])
                plsc.addupdate_scatter(tout, [offs[c] + dct], gv)

        edge_loop(sum_group, True)
        pltpu.sync_copy(tout, sumT.at[pl.ds(base, cpt * n_nodes)])

    return edge_pass


def _make_head_pass(n_nodes, d, with_deg):
    cpt = d // NT
    outs = [jax.ShapeDtypeStruct((d * n_nodes,), jnp.float32)]
    scratch = [pltpu.VMEM((cpt * n_nodes,), jnp.float32),
               pltpu.VMEM((cpt * n_nodes,), jnp.float32),
               pltpu.VMEM((n_nodes,), jnp.int32)]
    if with_deg:
        outs.append(jax.ShapeDtypeStruct((n_nodes,), jnp.float32))
        scratch.append(pltpu.VMEM((n_nodes,), jnp.float32))

    @functools.partial(
        pl.kernel, out_type=tuple(outs), mesh=_sc_mesh(),
        scratch_types=scratch,
        compiler_params=pltpu.CompilerParams(needs_layout_passes=False))
    def head_pass(packed, nbT, sumT, *rest):
        if with_deg:
            degO, tin, tout, ebuf, degv = rest
        else:
            tin, tout, ebuf = rest
        cid = lax.axis_index("c")
        sid = lax.axis_index("s")
        wid = sid * 2 + cid
        base = wid * cpt * n_nodes
        offs = [jnp.full((16,), c * n_nodes, jnp.int32) for c in range(cpt)]
        ones16 = jnp.full((16,), 1.0, jnp.float32)

        pltpu.sync_copy(nbT.at[pl.ds(base, cpt * n_nodes)], tin)
        pltpu.sync_copy(packed.at[pl.ds(0, n_nodes)], ebuf)

        @functools.partial(plsc.parallel_loop, 0, cpt * n_nodes // 16,
                           unroll=4)
        def _(j):
            tout[pl.ds(j * 16, 16)] = jnp.zeros((16,), jnp.float32)
        if with_deg:
            @functools.partial(plsc.parallel_loop, 0, n_nodes // 16, unroll=5)
            def _(j):
                degv[pl.ds(j * 16, 16)] = jnp.zeros((16,), jnp.float32)

        @functools.partial(plsc.parallel_loop, 0, n_nodes // 16, unroll=5)
        def _(g):
            p = ebuf[pl.ds(g * 16, 16)]
            dct = lax.shift_right_logical(p, 16)
            if with_deg:
                plsc.addupdate_scatter(degv, [dct], ones16)
            for c in range(cpt):
                gv = tin[pl.ds(c * n_nodes + g * 16, 16)]
                plsc.addupdate_scatter(tout, [offs[c] + dct], gv)

        pltpu.sync_copy(tout, sumT.at[pl.ds(base, cpt * n_nodes)])
        if with_deg:
            @pl.when(wid == 0)
            def _():
                pltpu.sync_copy(degv, degO)

    return head_pass



def kernel(x, edge_attr, edge_index, batch, emb_atom_w, emb_bond_w,
           W_msg, b_msg, W_edge, b_edge, W_bond, b_bond,
           W1, b1, W2, b2, W3, b3):
    n = x.shape[0]
    e = edge_attr.shape[0]
    d = emb_atom_w.shape[1]
    rd = W1.shape[1]
    f32 = jnp.float32
    nodeT = jax.ShapeDtypeStruct((d, n), f32)

    x2 = x.reshape(1, n).astype(jnp.int32)
    ea2 = edge_attr[:n].reshape(1, n).astype(jnp.int32)
    ei = edge_index.astype(jnp.int32)
    batch2 = batch.reshape(1, n).astype(jnp.int32)
    bb_col = b_bond.reshape(d, 1)
    bsum_col = (b_msg + b_edge).reshape(d, 1)

    aT0, A1T, Bm1T, packed2 = pl.pallas_call(
        _tc0_body,
        out_shape=(nodeT, nodeT, nodeT,
                   jax.ShapeDtypeStruct((1, e), jnp.int32)),
    )(x2, ea2, ei, emb_atom_w, emb_bond_w, W_bond)
    packed = packed2.reshape(e)

    fill = pl.pallas_call(
        _fill_body,
        grid=(32,),
        out_shape=jax.ShapeDtypeStruct((e, d), f32),
        out_specs=pl.BlockSpec((e // 32, d), lambda i: (i, 0)),
    )()

    edge_pass_deg = _make_edge_pass(n, e, d, True)
    edge_pass = _make_edge_pass(n, e, d, False)
    head_pass_deg = _make_head_pass(n, d, True)
    head_pass = _make_head_pass(n, d, False)

    maxB1T, sumA1T, deg = edge_pass_deg(packed, Bm1T.reshape(d * n),
                                        aT0.reshape(d * n))
    maxB1T = maxB1T.reshape(d, n)
    sumA1T = sumA1T.reshape(d, n)
    deg_row = deg.reshape(1, n)
    nb1T, A2T, Bm2T = pl.pallas_call(
        functools.partial(_tc_nb_body, True),
        out_shape=(nodeT, nodeT, nodeT),
    )(A1T, maxB1T, deg_row, bb_col, W_bond)
    sumb1T, degs = head_pass_deg(packed, nb1T.reshape(d * n))
    sumb1T = sumb1T.reshape(d, n)
    degs_row = degs.reshape(1, n)
    a1T = pl.pallas_call(
        _tc2_body,
        out_shape=nodeT,
    )(sumA1T, sumb1T, deg_row, degs_row, aT0, W_msg, W_edge, bsum_col)

    maxB2T, sumA2T = edge_pass(packed, Bm2T.reshape(d * n),
                               a1T.reshape(d * n))
    maxB2T = maxB2T.reshape(d, n)
    sumA2T = sumA2T.reshape(d, n)
    nb2T, out_bond = pl.pallas_call(
        _tc3_body,
        grid=(1,),
        out_shape=(nodeT, jax.ShapeDtypeStruct((e, d), f32)),
        in_specs=[pl.BlockSpec((d, n), lambda i: (0, 0)),
                  pl.BlockSpec((d, n), lambda i: (0, 0)),
                  pl.BlockSpec((1, n), lambda i: (0, 0)),
                  pl.BlockSpec((d, 1), lambda i: (0, 0)),
                  pl.BlockSpec((n, d), lambda i: (0, 0))],
        out_specs=(pl.BlockSpec((d, n), lambda i: (0, 0)),
                   pl.BlockSpec((n, d), lambda i: (0, 0))),
        input_output_aliases={4: 1},
    )(A2T, maxB2T, deg_row, bb_col, fill)
    sumb2T, = head_pass(packed, nb2T.reshape(d * n))
    sumb2T = sumb2T.reshape(d, n)

    outT, out_atom = pl.pallas_call(
        _tc4_body,
        out_shape=(jax.ShapeDtypeStruct((1, 256), f32),
                   jax.ShapeDtypeStruct((n, d), f32)),
    )(sumA2T, sumb2T, deg_row, degs_row, a1T, W_msg, W_edge, bsum_col,
      batch2, W1, b1.reshape(rd, 1), W2, b2.reshape(rd, 1), W3,
      b3.reshape(1, 1))
    out = outT.reshape(256, 1)
    return (out, out_atom, out_bond)

# --- scband reference (transcript-rebuilt; emitter-appended) ---
"""Pipeline reference for scband-molecule-gcn-24197845745884 (READ-ONLY COPY).

The authoritative reference and input builder live on the scoring server;
editing this copy changes nothing except your own understanding.
"""

import jax, jax.numpy as jnp
import numpy as np

N = 10000
E = 320000
D = 128
ATOM_VOCAB = 100
BOND_VOCAB = 16
N_GRAPHS = 256
RD = 64
OUT_DIM = 1
N_MESSAGES = 2

def softplus(v):
    return jnp.logaddexp(v, 0.0)

def setup_inputs(seed: int = 0):
    key = jax.random.key(seed)
    ks = jax.random.split(key, 18)
    x = jax.random.randint(ks[0], (N,), 0, ATOM_VOCAB)
    edge_attr = jax.random.randint(ks[1], (E,), 0, BOND_VOCAB)
    edge_index = jax.random.randint(ks[2], (2, E), 0, N)
    batch = jnp.sort(jax.random.randint(ks[3], (N,), 0, N_GRAPHS))
    s = 0.05
    emb_atom_w = jax.random.normal(ks[4], (ATOM_VOCAB, D), dtype=jnp.float32) * s
    emb_bond_w = jax.random.normal(ks[5], (BOND_VOCAB, D), dtype=jnp.float32) * s
    W_msg = jax.random.normal(ks[6], (D, D), dtype=jnp.float32) * s
    b_msg = jnp.zeros((D,), jnp.float32)
    W_edge = jax.random.normal(ks[7], (D, D), dtype=jnp.float32) * s
    b_edge = jnp.zeros((D,), jnp.float32)
    W_bond = jax.random.normal(ks[8], (2 * D, D), dtype=jnp.float32) * s
    b_bond = jnp.zeros((D,), jnp.float32)
    W1 = jax.random.normal(ks[9], (D, RD), dtype=jnp.float32) * s
    b1 = jnp.zeros((RD,), jnp.float32)
    W2 = jax.random.normal(ks[10], (RD, RD), dtype=jnp.float32) * s
    b2 = jnp.zeros((RD,), jnp.float32)
    W3 = jax.random.normal(ks[11], (RD, OUT_DIM), dtype=jnp.float32) * s
    b3 = jnp.zeros((OUT_DIM,), jnp.float32)
    return {"x": x, "edge_attr": edge_attr, "edge_index": edge_index, "batch": batch,
            "emb_atom_w": emb_atom_w, "emb_bond_w": emb_bond_w,
            "W_msg": W_msg, "b_msg": b_msg, "W_edge": W_edge, "b_edge": b_edge,
            "W_bond": W_bond, "b_bond": b_bond,
            "W1": W1, "b1": b1, "W2": W2, "b2": b2, "W3": W3, "b3": b3}

def reference(x, edge_attr, edge_index, batch, emb_atom_w, emb_bond_w,
              W_msg, b_msg, W_edge, b_edge, W_bond, b_bond,
              W1, b1, W2, b2, W3, b3):
    src = edge_index[0]
    dst = edge_index[1]
    # embeddings + activation (dropout p=0 / eval mode -> identity)
    out_atom = softplus(jnp.take(emb_atom_w, x, axis=0))
    out_bond = softplus(jnp.take(emb_bond_w, edge_attr, axis=0))
    for _ in range(N_MESSAGES):
        # EdgeConv (PyG): per-edge message nn([x_i, x_j - x_i]), max-aggregated at dst.
        # out_bond here plays the role of 'node' features of size E (E >= N so indices valid,
        # matching the original code); PyG fills empty segments with 0.
        x_i = jnp.take(out_bond, dst, axis=0)
        x_j = jnp.take(out_bond, src, axis=0)
        msg = jnp.concatenate([x_i, x_j - x_i], axis=-1) @ W_bond + b_bond
        agg = jax.ops.segment_max(msg, dst, num_segments=E)
        agg = jnp.where(agg == -jnp.inf, 0.0, agg)
        out_bond = softplus(agg)
        # GeneralConv (PyG, aggr='add', heads=1, in==out -> lin_self = Identity):
        # message = lin_msg(x_j) + lin_edge(edge_attr); out = scatter_add(msg, dst) + x
        m = jnp.take(out_atom, src, axis=0) @ W_msg + b_msg + (out_bond @ W_edge + b_edge)
        agg2 = jax.ops.segment_sum(m, dst, num_segments=N)
        out_atom = softplus(agg2 + out_atom)
    pooled = jax.ops.segment_sum(out_atom, batch, num_segments=N_GRAPHS)
    h = softplus(pooled @ W1 + b1)
    h = softplus(h @ W2 + b2)
    out = h @ W3 + b3
    return (out, out_atom, out_bond)

if __name__ == "__main__":
    import jax
    _d = setup_inputs()
    print(jax.jit(kernel)(*tuple(_d.values())))

</pallas_src>

<mosaic_0001>
#map = affine_map<(d0, d1) -> (0)>
module attributes {stable_mosaic.version = 14 : i64} {
  func.func @edge_pass(%arg0: i32, %arg1: i32, %arg2: memref<320000xi32, #tpu.memory_space<hbm>>, %arg3: memref<1280000xf32, #tpu.memory_space<hbm>>, %arg4: memref<1280000xf32, #tpu.memory_space<hbm>>, %arg5: memref<1280000xf32, #tpu.memory_space<hbm>>, %arg6: memref<1280000xf32, #tpu.memory_space<hbm>>, %arg7: memref<10000xf32, #tpu.memory_space<hbm>>, %arg8: memref<40000xf32, #tpu.memory_space<vmem>>, %arg9: memref<40000xf32, #tpu.memory_space<vmem>>, %arg10: memref<6400xi32, #tpu.memory_space<vmem>>, %arg11: memref<10000xf32, #tpu.memory_space<vmem>>) attributes {dimension_semantics = [#tpu.dimension_semantics<core_parallel>, #tpu.dimension_semantics<subcore_parallel>], iteration_bounds = array<i64: 2, 16>, scalar_prefetch = 0 : i64, scratch_operands = 4 : i64, tpu.core_type = #tpu.core_type<sc_vector_subcore>, window_params = [{transform_indices = #map}, {transform_indices = #map}, {transform_indices = #map}, {transform_indices = #map}, {transform_indices = #map}, {transform_indices = #map}]} {
    %mul3A = arith.constant 2 : i32
    %mul3A_0 = arith.muli %arg1, %mul3A : i32
    %add3A = arith.addi %mul3A_0, %arg0 : i32
    %mul3A_1 = arith.constant 4 : i32
    %mul3A_2 = arith.muli %add3A, %mul3A_1 : i32
    %mul3A_3 = arith.constant 10000 : i32
    %mul3A_4 = arith.muli %mul3A_2, %mul3A_3 : i32
    %broadcast_in_dim3A = arith.constant 0 : i32
    %broadcast_in_dim3A_5 = vector.broadcast %broadcast_in_dim3A : i32 to vector<16xi32>
    %broadcast_in_dim3A_6 = arith.constant 10000 : i32
    %broadcast_in_dim3A_7 = vector.broadcast %broadcast_in_dim3A_6 : i32 to vector<16xi32>
    %broadcast_in_dim3A_8 = arith.constant 20000 : i32
    %broadcast_in_dim3A_9 = vector.broadcast %broadcast_in_dim3A_8 : i32 to vector<16xi32>
    %broadcast_in_dim3A_10 = arith.constant 30000 : i32
    %broadcast_in_dim3A_11 = vector.broadcast %broadcast_in_dim3A_10 : i32 to vector<16xi32>
    %broadcast_in_dim3A_12 = arith.constant 1.000000e+00 : f32
    %broadcast_in_dim3A_13 = vector.broadcast %broadcast_in_dim3A_12 : f32 to vector<16xf32>
    "tpu.region"() ({
      %run_scoped3A = tpu.sem_alloc : memref<!tpu.dma_semaphore, #tpu.memory_space<semaphore_mem>>
      %dma_start3A = tpu.memref_slice %arg3[%mul3A_4] : memref<1280000xf32, #tpu.memory_space<hbm>> -> memref<40000xf32, #tpu.memory_space<hbm>>
      %dma_start3A_29 = tpu.memref_slice %arg3[%mul3A_4] : memref<1280000xf32, #tpu.memory_space<hbm>> -> memref<40000xf32, #tpu.memory_space<hbm>>
      tpu.enqueue_dma source(%dma_start3A_29 : memref<40000xf32, #tpu.memory_space<hbm>>) target(%arg8 : memref<40000xf32, #tpu.memory_space<vmem>>) target_semaphore(%run_scoped3A : memref<!tpu.dma_semaphore, #tpu.memory_space<semaphore_mem>>)
      %dma_wait3A = tpu.memref_slice %arg3[%mul3A_4] : memref<1280000xf32, #tpu.memory_space<hbm>> -> memref<40000xf32, #tpu.memory_space<hbm>>
      %dma_wait3A_30 = tpu.memref_slice %arg3[%mul3A_4] : memref<1280000xf32, #tpu.memory_space<hbm>> -> memref<40000xf32, #tpu.memory_space<hbm>>
      tpu.wait_dma2 semaphore(%run_scoped3A : memref<!tpu.dma_semaphore, #tpu.memory_space<semaphore_mem>>) src(%dma_wait3A_30 : memref<40000xf32, #tpu.memory_space<hbm>>) dst(%arg8 : memref<40000xf32, #tpu.memory_space<vmem>>)
      tpu.yield
    }) : () -> ()
    %scan3A = arith.constant 0 : i32
    %scan3A_14 = arith.constant 0 : i32
    %scan3A_15 = arith.constant 50 : i32
    %scan3A_16 = arith.addi %scan3A_14, %scan3A_15 : i32
    %scan3A_17 = arith.constant 1 : i32
    %scan3A_18 = scf.for %scan3A_29 = %scan3A_14 to %scan3A_16 step %scan3A_17 iter_args(%scan3A_30 = %scan3A) -> (i32)  : i32 {
      %mul3A_31 = arith.constant 6400 : i32
      %mul3A_32 = arith.muli %scan3A_29, %mul3A_31 : i32
      "tpu.region"() ({
        %run_scoped3A = tpu.sem_alloc : memref<!tpu.dma_semaphore, #tpu.memory_space<semaphore_mem>>
        %dma_start3A = tpu.memref_slice %arg2[%mul3A_32] : memref<320000xi32, #tpu.memory_space<hbm>> -> memref<6400xi32, #tpu.memory_space<hbm>>
        %dma_start3A_41 = tpu.memref_slice %arg2[%mul3A_32] : memref<320000xi32, #tpu.memory_space<hbm>> -> memref<6400xi32, #tpu.memory_space<hbm>>
        tpu.enqueue_dma source(%dma_start3A_41 : memref<6400xi32, #tpu.memory_space<hbm>>) target(%arg10 : memref<6400xi32, #tpu.memory_space<vmem>>) target_semaphore(%run_scoped3A : memref<!tpu.dma_semaphore, #tpu.memory_space<semaphore_mem>>)
        %dma_wait3A = tpu.memref_slice %arg2[%mul3A_32] : memref<320000xi32, #tpu.memory_space<hbm>> -> memref<6400xi32, #tpu.memory_space<hbm>>
        %dma_wait3A_42 = tpu.memref_slice %arg2[%mul3A_32] : memref<320000xi32, #tpu.memory_space<hbm>> -> memref<6400xi32, #tpu.memory_space<hbm>>
        tpu.wait_dma2 semaphore(%run_scoped3A : memref<!tpu.dma_semaphore, #tpu.memory_space<semaphore_mem>>) src(%dma_wait3A_42 : memref<6400xi32, #tpu.memory_space<hbm>>) dst(%arg10 : memref<6400xi32, #tpu.memory_space<vmem>>)
        tpu.yield
      }) : () -> ()
      %scan3A_33 = arith.constant 0 : i32
      %scan3A_34 = arith.constant 0 : i32
      %scan3A_35 = arith.constant 400 : i32
      %scan3A_36 = arith.addi %scan3A_34, %scan3A_35 : i32
      %scan3A_37 = arith.constant 1 : i32
      %scan3A_38 = scf.for %scan3A_41 = %scan3A_34 to %scan3A_36 step %scan3A_37 iter_args(%scan3A_42 = %scan3A_33) -> (i32)  : i32 {
        %mul3A_43 = arith.constant 16 : i32
        %mul3A_44 = arith.muli %scan3A_41, %mul3A_43 : i32
        %get3A = arith.index_cast %mul3A_44 : i32 to index
        %get3A_45 = tpu.vector_load %arg10[%get3A] {strides = array<i32>} : memref<6400xi32, #tpu.memory_space<vmem>>, vector<16xi32>,
        %shift_right_logical3A = arith.constant 16 : i32
        %shift_right_logical3A_46 = vector.broadcast %shift_right_logical3A : i32 to vector<16xi32>
        %shift_right_logical3A_47 = arith.shrui %get3A_45, %shift_right_logical3A_46 : vector<16xi32>
        %and3A = arith.constant 65535 : i32
        %and3A_48 = vector.broadcast %and3A : i32 to vector<16xi32>
        %and3A_49 = arith.andi %get3A_45, %and3A_48 : vector<16xi32>
        %add3A_50 = arith.addi %broadcast_in_dim3A_5, %and3A_49 : vector<16xi32>
        %gather3A = tpu.vector_load_idx %arg8[%add3A_50] : memref<40000xf32, #tpu.memory_space<vmem>>[vector<16xi32>], vector<16xf32>,
        %add3A_51 = arith.addi %broadcast_in_dim3A_7, %and3A_49 : vector<16xi32>
        %gather3A_52 = tpu.vector_load_idx %arg8[%add3A_51] : memref<40000xf32, #tpu.memory_space<vmem>>[vector<16xi32>], vector<16xf32>,
        %add3A_53 = arith.addi %broadcast_in_dim3A_9, %and3A_49 : vector<16xi32>
        %gather3A_54 = tpu.vector_load_idx %arg8[%add3A_53] : memref<40000xf32, #tpu.memory_space<vmem>>[vector<16xi32>], vector<16xf32>,
        %add3A_55 = arith.addi %broadcast_in_dim3A_11, %and3A_49 : vector<16xi32>
        %gather3A_56 = tpu.vector_load_idx %arg8[%add3A_55] : memref<40000xf32, #tpu.memory_space<vmem>>[vector<16xi32>], vector<16xf32>,
        %add3A_57 = arith.addi %broadcast_in_dim3A_5, %shift_right_logical3A_47 : vector<16xi32>
        %add3A_58 = arith.addi %broadcast_in_dim3A_7, %shift_right_logical3A_47 : vector<16xi32>
        %add3A_59 = arith.addi %broadcast_in_dim3A_9, %shift_right_logical3A_47 : vector<16xi32>
        %add3A_60 = arith.addi %broadcast_in_dim3A_11, %shift_right_logical3A_47 : vector<16xi32>
        %broadcast_in_dim3A_61 = arith.constant true
        %broadcast_in_dim3A_62 = vector.broadcast %broadcast_in_dim3A_61 : i1 to vector<16xi1>
        %unique3A, %unique3A_63 = tpu.scan_count mask(%broadcast_in_dim3A_62 : vector<16xi1>) value(%shift_right_logical3A_47 : vector<16xi32>) : vector<16xi1>, vector<16xi32>
        %gather3A_64 = tpu.vector_load_idx %arg9[%add3A_57] : memref<40000xf32, #tpu.memory_space<vmem>>[vector<16xi32>], vector<16xf32>,
        %gather3A_65 = tpu.vector_load_idx %arg9[%add3A_58] : memref<40000xf32, #tpu.memory_space<vmem>>[vector<16xi32>], vector<16xf32>,
        %gather3A_66 = tpu.vector_load_idx %arg9[%add3A_59] : memref<40000xf32, #tpu.memory_space<vmem>>[vector<16xi32>], vector<16xf32>,
        %gather3A_67 = tpu.vector_load_idx %arg9[%add3A_60] : memref<40000xf32, #tpu.memory_space<vmem>>[vector<16xi32>], vector<16xf32>,
        %gt3A = arith.cmpf ogt, %gather3A, %gather3A_64 : vector<16xf32>
        tpu.vector_store_idx %arg9[%add3A_57], %gather3A masked %gt3A : memref<40000xf32, #tpu.memory_space<vmem>>[vector<16xi32>], vector<16xf32>, vector<16xi1>
        %gt3A_68 = arith.cmpf ogt, %gather3A_52, %gather3A_65 : vector<16xf32>
        tpu.vector_store_idx %arg9[%add3A_58], %gather3A_52 masked %gt3A_68 : memref<40000xf32, #tpu.memory_space<vmem>>[vector<16xi32>], vector<16xf32>, vector<16xi1>
        %gt3A_69 = arith.cmpf ogt, %gather3A_54, %gather3A_66 : vector<16xf32>
        tpu.vector_store_idx %arg9[%add3A_59], %gather3A_54 masked %gt3A_69 : memref<40000xf32, #tpu.memory_space<vmem>>[vector<16xi32>], vector<16xf32>, vector<16xi1>
        %gt3A_70 = arith.cmpf ogt, %gather3A_56, %gather3A_67 : vector<16xf32>
        tpu.vector_store_idx %arg9[%add3A_60], %gather3A_56 masked %gt3A_70 : memref<40000xf32, #tpu.memory_space<vmem>>[vector<16xi32>], vector<16xf32>, vector<16xi1>
        %reduce_and3A = arith.constant 1.000000e+00 : f32
        %reduce_and3A_71 = arith.constant 0.000000e+00 : f32
        %reduce_and3A_72 = vector.broadcast %reduce_and3A : f32 to vector<16xf32>
        %reduce_and3A_73 = vector.broadcast %reduce_and3A_71 : f32 to vector<16xf32>
        %reduce_and3A_74 = arith.select %unique3A, %reduce_and3A_72, %reduce_and3A_73 : vector<16xi1>, vector<16xf32>
        %reduce_and3A_75 = arith.constant true
        %reduce_and3A_76 = vector.broadcast %reduce_and3A_75 : i1 to vector<16xi1>
        %reduce_and3A_77 = tpu.scan <min>, %reduce_and3A_74 masked %reduce_and3A_76 : vector<16xf32>, vector<16xi1> -> vector<16xf32>
        %reduce_and3A_78 = vector.extract %reduce_and3A_77[15] : f32 from vector<16xf32>
        %reduce_and3A_79 = arith.constant 0.000000e+00 : f32
        %reduce_and3A_80 = arith.cmpf ogt, %reduce_and3A_78, %reduce_and3A_79 : f32
        %not3A = arith.constant true
        %not3A_81 = arith.xori %reduce_and3A_80, %not3A : i1
        %convert_element_type3A_82 = arith.extui %not3A_81 : i1 to i32
        %cond3A_83 = arith.constant 0 : i32
        %cond3A_84 = arith.cmpi ne, %convert_element_type3A_82, %cond3A_83 : i32
        scf.if %cond3A_84 {
          %gather3A_86 = tpu.vector_load_idx %arg9[%add3A_57] : memref<40000xf32, #tpu.memory_space<vmem>>[vector<16xi32>], vector<16xf32>,
          %gather3A_87 = tpu.vector_load_idx %arg9[%add3A_58] : memref<40000xf32, #tpu.memory_space<vmem>>[vector<16xi32>], vector<16xf32>,
          %gather3A_88 = tpu.vector_load_idx %arg9[%add3A_59] : memref<40000xf32, #tpu.memory_space<vmem>>[vector<16xi32>], vector<16xf32>,
          %gather3A_89 = tpu.vector_load_idx %arg9[%add3A_60] : memref<40000xf32, #tpu.memory_space<vmem>>[vector<16xi32>], vector<16xf32>,
          %while3A:4 = scf.while (%while3A_90 = %gather3A_86, %while3A_91 = %gather3A_87, %while3A_92 = %gather3A_88, %while3A_93 = %gather3A_89) : (vector<16xf32>, vector<16xf32>, vector<16xf32>, vector<16xf32>) -> (vector<16xf32>, vector<16xf32>, vector<16xf32>, vector<16xf32>) {
            %gt3A_94 = arith.cmpf ogt, %gather3A, %while3A_90 : vector<16xf32>
            %reduce_or3A = arith.constant 1.000000e+00 : f32
            %reduce_or3A_95 = arith.constant 0.000000e+00 : f32
            %reduce_or3A_96 = vector.broadcast %reduce_or3A : f32 to vector<16xf32>
            %reduce_or3A_97 = vector.broadcast %reduce_or3A_95 : f32 to vector<16xf32>
            %reduce_or3A_98 = arith.select %gt3A_94, %reduce_or3A_96, %reduce_or3A_97 : vector<16xi1>, vector<16xf32>
            %reduce_or3A_99 = arith.constant true
            %reduce_or3A_100 = vector.broadcast %reduce_or3A_99 : i1 to vector<16xi1>
            %reduce_or3A_101 = tpu.scan <max>, %reduce_or3A_98 masked %reduce_or3A_100 : vector<16xf32>, vector<16xi1> -> vector<16xf32>
            %reduce_or3A_102 = vector.extract %reduce_or3A_101[15] : f32 from vector<16xf32>
            %reduce_or3A_103 = arith.constant 0.000000e+00 : f32
            %reduce_or3A_104 = arith.cmpf ogt, %reduce_or3A_102, %reduce_or3A_103 : f32
            %gt3A_105 = arith.cmpf ogt, %gather3A_52, %while3A_91 : vector<16xf32>
            %reduce_or3A_106 = arith.constant 1.000000e+00 : f32
            %reduce_or3A_107 = arith.constant 0.000000e+00 : f32
            %reduce_or3A_108 = vector.broadcast %reduce_or3A_106 : f32 to vector<16xf32>
            %reduce_or3A_109 = vector.broadcast %reduce_or3A_107 : f32 to vector<16xf32>
            %reduce_or3A_110 = arith.select %gt3A_105, %reduce_or3A_108, %reduce_or3A_109 : vector<16xi1>, vector<16xf32>
            %reduce_or3A_111 = arith.constant true
            %reduce_or3A_112 = vector.broadcast %reduce_or3A_111 : i1 to vector<16xi1>
            %reduce_or3A_113 = tpu.scan <max>, %reduce_or3A_110 masked %reduce_or3A_112 : vector<16xf32>, vector<16xi1> -> vector<16xf32>
            %reduce_or3A_114 = vector.extract %reduce_or3A_113[15] : f32 from vector<16xf32>
            %reduce_or3A_115 = arith.constant 0.000000e+00 : f32
            %reduce_or3A_116 = arith.cmpf ogt, %reduce_or3A_114, %reduce_or3A_115 : f32
            %or3A = arith.ori %reduce_or3A_104, %reduce_or3A_116 : i1
            %gt3A_117 = arith.cmpf ogt, %gather3A_54, %while3A_92 : vector<16xf32>
            %reduce_or3A_118 = arith.constant 1.000000e+00 : f32
            %reduce_or3A_119 = arith.constant 0.000000e+00 : f32
            %reduce_or3A_120 = vector.broadcast %reduce_or3A_118 : f32 to vector<16xf32>
            %reduce_or3A_121 = vector.broadcast %reduce_or3A_119 : f32 to vector<16xf32>
            %reduce_or3A_122 = arith.select %gt3A_117, %reduce_or3A_120, %reduce_or3A_121 : vector<16xi1>, vector<16xf32>
            %reduce_or3A_123 = arith.constant true
            %reduce_or3A_124 = vector.broadcast %reduce_or3A_123 : i1 to vector<16xi1>
            %reduce_or3A_125 = tpu.scan <max>, %reduce_or3A_122 masked %reduce_or3A_124 : vector<16xf32>, vector<16xi1> -> vector<16xf32>
            %reduce_or3A_126 = vector.extract %reduce_or3A_125[15] : f32 from vector<16xf32>
            %reduce_or3A_127 = arith.constant 0.000000e+00 : f32
            %reduce_or3A_128 = arith.cmpf ogt, %reduce_or3A_126, %reduce_or3A_127 : f32
            %or3A_129 = arith.ori %or3A, %reduce_or3A_128 : i1
            %gt3A_130 = arith.cmpf ogt, %gather3A_56, %while3A_93 : vector<16xf32>
            %reduce_or3A_131 = arith.constant 1.000000e+00 : f32
            %reduce_or3A_132 = arith.constant 0.000000e+00 : f32
            %reduce_or3A_133 = vector.broadcast %reduce_or3A_131 : f32 to vector<16xf32>
            %reduce_or3A_134 = vector.broadcast %reduce_or3A_132 : f32 to vector<16xf32>
            %reduce_or3A_135 = arith.select %gt3A_130, %reduce_or3A_133, %reduce_or3A_134 : vector<16xi1>, vector<16xf32>
            %reduce_or3A_136 = arith.constant true
            %reduce_or3A_137 = vector.broadcast %reduce_or3A_136 : i1 to vector<16xi1>
            %reduce_or3A_138 = tpu.scan <max>, %reduce_or3A_135 masked %reduce_or3A_137 : vector<16xf32>, vector<16xi1> -> vector<16xf32>
            %reduce_or3A_139 = vector.extract %reduce_or3A_138[15] : f32 from vector<16xf32>
            %reduce_or3A_140 = arith.constant 0.000000e+00 : f32
            %reduce_or3A_141 = arith.cmpf ogt, %reduce_or3A_139, %reduce_or3A_140 : f32
            %or3A_142 = arith.ori %or3A_129, %reduce_or3A_141 : i1
            scf.condition(%or3A_142) %while3A_90, %while3A_91, %while3A_92, %while3A_93 : vector<16xf32>, vector<16xf32>, vector<16xf32>, vector<16xf32>
          } do {
          ^bb0(%while3A_90: vector<16xf32>, %while3A_91: vector<16xf32>, %while3A_92: vector<16xf32>, %while3A_93: vector<16xf32>):
            %gt3A_94 = arith.cmpf ogt, %gather3A, %while3A_90 : vector<16xf32>
            tpu.vector_store_idx %arg9[%add3A_57], %gather3A masked %gt3A_94 : memref<40000xf32, #tpu.memory_space<vmem>>[vector<16xi32>], vector<16xf32>, vector<16xi1>
            %gt3A_95 = arith.cmpf ogt, %gather3A_52, %while3A_91 : vector<16xf32>
            tpu.vector_store_idx %arg9[%add3A_58], %gather3A_52 masked %gt3A_95 : memref<40000xf32, #tpu.memory_space<vmem>>[vector<16xi32>], vector<16xf32>, vector<16xi1>
            %gt3A_96 = arith.cmpf ogt, %gather3A_54, %while3A_92 : vector<16xf32>
            tpu.vector_store_idx %arg9[%add3A_59], %gather3A_54 masked %gt3A_96 : memref<40000xf32, #tpu.memory_space<vmem>>[vector<16xi32>], vector<16xf32>, vector<16xi1>
            %gt3A_97 = arith.cmpf ogt, %gather3A_56, %while3A_93 : vector<16xf32>
            tpu.vector_store_idx %arg9[%add3A_60], %gather3A_56 masked %gt3A_97 : memref<40000xf32, #tpu.memory_space<vmem>>[vector<16xi32>], vector<16xf32>, vector<16xi1>
            %gather3A_98 = tpu.vector_load_idx %arg9[%add3A_57] : memref<40000xf32, #tpu.memory_space<vmem>>[vector<16xi32>], vector<16xf32>,
            %gather3A_99 = tpu.vector_load_idx %arg9[%add3A_58] : memref<40000xf32, #tpu.memory_space<vmem>>[vector<16xi32>], vector<16xf32>,
            %gather3A_100 = tpu.vector_load_idx %arg9[%add3A_59] : memref<40000xf32, #tpu.memory_space<vmem>>[vector<16xi32>], vector<16xf32>,
            %gather3A_101 = tpu.vector_load_idx %arg9[%add3A_60] : memref<40000xf32, #tpu.memory_space<vmem>>[vector<16xi32>], vector<16xf32>,
            scf.yield %gather3A_98, %gather3A_99, %gather3A_100, %gather3A_101 : vector<16xf32>, vector<16xf32>, vector<16xf32>, vector<16xf32>
          }
        } else {
        }
        %scan3A_85 = arith.constant 0 : i32
        scf.yield %scan3A_85 : i32
      }
      %scan3A_39 = arith.constant 400 : i32
      %scan3A_40 = arith.constant 0 : i32
      scf.yield %scan3A_40 : i32
    }
    %scan3A_19 = arith.constant 50 : i32
    "tpu.region"() ({
      %run_scoped3A = tpu.sem_alloc : memref<!tpu.dma_semaphore, #tpu.memory_space<semaphore_mem>>
      %dma_start3A = tpu.memref_slice %arg5[%mul3A_4] : memref<1280000xf32, #tpu.memory_space<hbm>> -> memref<40000xf32, #tpu.memory_space<hbm>>
      %dma_start3A_29 = tpu.memref_slice %arg5[%mul3A_4] : memref<1280000xf32, #tpu.memory_space<hbm>> -> memref<40000xf32, #tpu.memory_space<hbm>>
      tpu.enqueue_dma source(%arg9 : memref<40000xf32, #tpu.memory_space<vmem>>) target(%dma_start3A_29 : memref<40000xf32, #tpu.memory_space<hbm>>) target_semaphore(%run_scoped3A : memref<!tpu.dma_semaphore, #tpu.memory_space<semaphore_mem>>)
      %dma_wait3A = tpu.memref_slice %arg5[%mul3A_4] : memref<1280000xf32, #tpu.memory_space<hbm>> -> memref<40000xf32, #tpu.memory_space<hbm>>
      %dma_wait3A_30 = tpu.memref_slice %arg5[%mul3A_4] : memref<1280000xf32, #tpu.memory_space<hbm>> -> memref<40000xf32, #tpu.memory_space<hbm>>
      tpu.wait_dma2 semaphore(%run_scoped3A : memref<!tpu.dma_semaphore, #tpu.memory_space<semaphore_mem>>) src(%arg9 : memref<40000xf32, #tpu.memory_space<vmem>>) dst(%dma_wait3A_30 : memref<40000xf32, #tpu.memory_space<hbm>>)
      tpu.yield
    }) : () -> ()
    %eq3A = arith.constant 0 : i32
    %eq3A_20 = arith.cmpi eq, %add3A, %eq3A : i32
    %convert_element_type3A = arith.extui %eq3A_20 : i1 to i32
    %cond3A = arith.constant 0 : i32
    %cond3A_21 = arith.cmpi ne, %convert_element_type3A, %cond3A : i32
    scf.if %cond3A_21 {
      "tpu.region"() ({
        %run_scoped3A = tpu.sem_alloc : memref<!tpu.dma_semaphore, #tpu.memory_space<semaphore_mem>>
        tpu.enqueue_dma source(%arg11 : memref<10000xf32, #tpu.memory_space<vmem>>) target(%arg7 : memref<10000xf32, #tpu.memory_space<hbm>>) target_semaphore(%run_scoped3A : memref<!tpu.dma_semaphore, #tpu.memory_space<semaphore_mem>>)
        tpu.wait_dma2 semaphore(%run_scoped3A : memref<!tpu.dma_semaphore, #tpu.memory_space<semaphore_mem>>) src(%arg11 : memref<10000xf32, #tpu.memory_space<vmem>>) dst(%arg7 : memref<10000xf32, #tpu.memory_space<hbm>>)
        tpu.yield
      }) : () -> ()
    } else {
    }
    "tpu.region"() ({
      %run_scoped3A = tpu.sem_alloc : memref<!tpu.dma_semaphore, #tpu.memory_space<semaphore_mem>>
      %dma_start3A = tpu.memref_slice %arg4[%mul3A_4] : memref<1280000xf32, #tpu.memory_space<hbm>> -> memref<40000xf32, #tpu.memory_space<hbm>>
      %dma_start3A_29 = tpu.memref_slice %arg4[%mul3A_4] : memref<1280000xf32, #tpu.memory_space<hbm>> -> memref<40000xf32, #tpu.memory_space<hbm>>
      tpu.enqueue_dma source(%dma_start3A_29 : memref<40000xf32, #tpu.memory_space<hbm>>) target(%arg8 : memref<40000xf32, #tpu.memory_space<vmem>>) target_semaphore(%run_scoped3A : memref<!tpu.dma_semaphore, #tpu.memory_space<semaphore_mem>>)
      %dma_wait3A = tpu.memref_slice %arg4[%mul3A_4] : memref<1280000xf32, #tpu.memory_space<hbm>> -> memref<40000xf32, #tpu.memory_space<hbm>>
      %dma_wait3A_30 = tpu.memref_slice %arg4[%mul3A_4] : memref<1280000xf32, #tpu.memory_space<hbm>> -> memref<40000xf32, #tpu.memory_space<hbm>>
      tpu.wait_dma2 semaphore(%run_scoped3A : memref<!tpu.dma_semaphore, #tpu.memory_space<semaphore_mem>>) src(%dma_wait3A_30 : memref<40000xf32, #tpu.memory_space<hbm>>) dst(%arg8 : memref<40000xf32, #tpu.memory_space<vmem>>)
      tpu.yield
    }) : () -> ()
    %scan3A_22 = arith.constant 0 : i32
    %scan3A_23 = arith.constant 0 : i32
    %scan3A_24 = arith.constant 50 : i32
    %scan3A_25 = arith.addi %scan3A_23, %scan3A_24 : i32
    %scan3A_26 = arith.constant 1 : i32
    %scan3A_27 = scf.for %scan3A_29 = %scan3A_23 to %scan3A_25 step %scan3A_26 iter_args(%scan3A_30 = %scan3A_22) -> (i32)  : i32 {
      %mul3A_31 = arith.constant 6400 : i32
      %mul3A_32 = arith.muli %scan3A_29, %mul3A_31 : i32
      "tpu.region"() ({
        %run_scoped3A = tpu.sem_alloc : memref<!tpu.dma_semaphore, #tpu.memory_space<semaphore_mem>>
        %dma_start3A = tpu.memref_slice %arg2[%mul3A_32] : memref<320000xi32, #tpu.memory_space<hbm>> -> memref<6400xi32, #tpu.memory_space<hbm>>
        %dma_start3A_34 = tpu.memref_slice %arg2[%mul3A_32] : memref<320000xi32, #tpu.memory_space<hbm>> -> memref<6400xi32, #tpu.memory_space<hbm>>
        tpu.enqueue_dma source(%dma_start3A_34 : memref<6400xi32, #tpu.memory_space<hbm>>) target(%arg10 : memref<6400xi32, #tpu.memory_space<vmem>>) target_semaphore(%run_scoped3A : memref<!tpu.dma_semaphore, #tpu.memory_space<semaphore_mem>>)
        %dma_wait3A = tpu.memref_slice %arg2[%mul3A_32] : memref<320000xi32, #tpu.memory_space<hbm>> -> memref<6400xi32, #tpu.memory_space<hbm>>
        %dma_wait3A_35 = tpu.memref_slice %arg2[%mul3A_32] : memref<320000xi32, #tpu.memory_space<hbm>> -> memref<6400xi32, #tpu.memory_space<hbm>>
        tpu.wait_dma2 semaphore(%run_scoped3A : memref<!tpu.dma_semaphore, #tpu.memory_space<semaphore_mem>>) src(%dma_wait3A_35 : memref<6400xi32, #tpu.memory_space<hbm>>) dst(%arg10 : memref<6400xi32, #tpu.memory_space<vmem>>)
        tpu.yield
      }) : () -> ()
      %scan3A_33 = arith.constant 0 : i32
      scf.yield %scan3A_33 : i32
    }
    %scan3A_28 = arith.constant 50 : i32
    "tpu.region"() ({
      %run_scoped3A = tpu.sem_alloc : memref<!tpu.dma_semaphore, #tpu.memory_space<semaphore_mem>>
      %dma_start3A = tpu.memref_slice %arg6[%mul3A_4] : memref<1280000xf32, #tpu.memory_space<hbm>> -> memref<40000xf32, #tpu.memory_space<hbm>>
      %dma_start3A_29 = tpu.memref_slice %arg6[%mul3A_4] : memref<1280000xf32, #tpu.memory_space<hbm>> -> memref<40000xf32, #tpu.memory_space<hbm>>
      tpu.enqueue_dma source(%arg9 : memref<40000xf32, #tpu.memory_space<vmem>>) target(%dma_start3A_29 : memref<40000xf32, #tpu.memory_space<hbm>>) target_semaphore(%run_scoped3A : memref<!tpu.dma_semaphore, #tpu.memory_space<semaphore_mem>>)
      %dma_wait3A = tpu.memref_slice %arg6[%mul3A_4] : memref<1280000xf32, #tpu.memory_space<hbm>> -> memref<40000xf32, #tpu.memory_space<hbm>>
      %dma_wait3A_30 = tpu.memref_slice %arg6[%mul3A_4] : memref<1280000xf32, #tpu.memory_space<hbm>> -> memref<40000xf32, #tpu.memory_space<hbm>>
      tpu.wait_dma2 semaphore(%run_scoped3A : memref<!tpu.dma_semaphore, #tpu.memory_space<semaphore_mem>>) src(%arg9 : memref<40000xf32, #tpu.memory_space<vmem>>) dst(%dma_wait3A_30 : memref<40000xf32, #tpu.memory_space<hbm>>)
      tpu.yield
    }) : () -> ()
    return
  }
}

#map = affine_map<(d0, d1) -> (0)>
module attributes {stable_mosaic.version = 14 : i64} {
  func.func @edge_pass(%arg0: i32, %arg1: i32, %arg2: memref<320000xi32, #tpu.memory_space<hbm>>, %arg3: memref<1280000xf32, #tpu.memory_space<hbm>>, %arg4: memref<1280000xf32, #tpu.memory_space<hbm>>, %arg5: memref<1280000xf32, #tpu.memory_space<hbm>>, %arg6: memref<1280000xf32, #tpu.memory_space<hbm>>, %arg7: memref<40000xf32, #tpu.memory_space<vmem>>, %arg8: memref<40000xf32, #tpu.memory_space<vmem>>, %arg9: memref<6400xi32, #tpu.memory_space<vmem>>) attributes {dimension_semantics = [#tpu.dimension_semantics<core_parallel>, #tpu.dimension_semantics<subcore_parallel>], iteration_bounds = array<i64: 2, 16>, scalar_prefetch = 0 : i64, scratch_operands = 3 : i64, tpu.core_type = #tpu.core_type<sc_vector_subcore>, window_params = [{transform_indices = #map}, {transform_indices = #map}, {transform_indices = #map}, {transform_indices = #map}, {transform_indices = #map}]} {
    %mul3A = arith.constant 2 : i32
    %mul3A_0 = arith.muli %arg1, %mul3A : i32
    %add3A = arith.addi %mul3A_0, %arg0 : i32
    %mul3A_1 = arith.constant 4 : i32
    %mul3A_2 = arith.muli %add3A, %mul3A_1 : i32
    %mul3A_3 = arith.constant 10000 : i32
    %mul3A_4 = arith.muli %mul3A_2, %mul3A_3 : i32
    %broadcast_in_dim3A = arith.constant 0 : i32
    %broadcast_in_dim3A_5 = vector.broadcast %broadcast_in_dim3A : i32 to vector<16xi32>
    %broadcast_in_dim3A_6 = arith.constant 10000 : i32
    %broadcast_in_dim3A_7 = vector.broadcast %broadcast_in_dim3A_6 : i32 to vector<16xi32>
    %broadcast_in_dim3A_8 = arith.constant 20000 : i32
    %broadcast_in_dim3A_9 = vector.broadcast %broadcast_in_dim3A_8 : i32 to vector<16xi32>
    %broadcast_in_dim3A_10 = arith.constant 30000 : i32
    %broadcast_in_dim3A_11 = vector.broadcast %broadcast_in_dim3A_10 : i32 to vector<16xi32>
    %broadcast_in_dim3A_12 = arith.constant 1.000000e+00 : f32
    %broadcast_in_dim3A_13 = vector.broadcast %broadcast_in_dim3A_12 : f32 to vector<16xf32>
    "tpu.region"() ({
      %run_scoped3A = tpu.sem_alloc : memref<!tpu.dma_semaphore, #tpu.memory_space<semaphore_mem>>
      %dma_start3A = tpu.memref_slice %arg3[%mul3A_4] : memref<1280000xf32, #tpu.memory_space<hbm>> -> memref<40000xf32, #tpu.memory_space<hbm>>
      %dma_start3A_27 = tpu.memref_slice %arg3[%mul3A_4] : memref<1280000xf32, #tpu.memory_space<hbm>> -> memref<40000xf32, #tpu.memory_space<hbm>>
      tpu.enqueue_dma source(%dma_start3A_27 : memref<40000xf32, #tpu.memory_space<hbm>>) target(%arg7 : memref<40000xf32, #tpu.memory_space<vmem>>) target_semaphore(%run_scoped3A : memref<!tpu.dma_semaphore, #tpu.memory_space<semaphore_mem>>)
      %dma_wait3A = tpu.memref_slice %arg3[%mul3A_4] : memref<1280000xf32, #tpu.memory_space<hbm>> -> memref<40000xf32, #tpu.memory_space<hbm>>
      %dma_wait3A_28 = tpu.memref_slice %arg3[%mul3A_4] : memref<1280000xf32, #tpu.memory_space<hbm>> -> memref<40000xf32, #tpu.memory_space<hbm>>
      tpu.wait_dma2 semaphore(%run_scoped3A : memref<!tpu.dma_semaphore, #tpu.memory_space<semaphore_mem>>) src(%dma_wait3A_28 : memref<40000xf32, #tpu.memory_space<hbm>>) dst(%arg7 : memref<40000xf32, #tpu.memory_space<vmem>>)
      tpu.yield
    }) : () -> ()
    %scan3A = arith.constant 0 : i32
    %scan3A_14 = arith.constant 0 : i32
    %scan3A_15 = arith.constant 50 : i32
    %scan3A_16 = arith.addi %scan3A_14, %scan3A_15 : i32
    %scan3A_17 = arith.constant 1 : i32
    %scan3A_18 = scf.for %scan3A_27 = %scan3A_14 to %scan3A_16 step %scan3A_17 iter_args(%scan3A_28 = %scan3A) -> (i32)  : i32 {
      %mul3A_29 = arith.constant 6400 : i32
      %mul3A_30 = arith.muli %scan3A_27, %mul3A_29 : i32
      "tpu.region"() ({
        %run_scoped3A = tpu.sem_alloc : memref<!tpu.dma_semaphore, #tpu.memory_space<semaphore_mem>>
        %dma_start3A = tpu.memref_slice %arg2[%mul3A_30] : memref<320000xi32, #tpu.memory_space<hbm>> -> memref<6400xi32, #tpu.memory_space<hbm>>
        %dma_start3A_39 = tpu.memref_slice %arg2[%mul3A_30] : memref<320000xi32, #tpu.memory_space<hbm>> -> memref<6400xi32, #tpu.memory_space<hbm>>
        tpu.enqueue_dma source(%dma_start3A_39 : memref<6400xi32, #tpu.memory_space<hbm>>) target(%arg9 : memref<6400xi32, #tpu.memory_space<vmem>>) target_semaphore(%run_scoped3A : memref<!tpu.dma_semaphore, #tpu.memory_space<semaphore_mem>>)
        %dma_wait3A = tpu.memref_slice %arg2[%mul3A_30] : memref<320000xi32, #tpu.memory_space<hbm>> -> memref<6400xi32, #tpu.memory_space<hbm>>
        %dma_wait3A_40 = tpu.memref_slice %arg2[%mul3A_30] : memref<320000xi32, #tpu.memory_space<hbm>> -> memref<6400xi32, #tpu.memory_space<hbm>>
        tpu.wait_dma2 semaphore(%run_scoped3A : memref<!tpu.dma_semaphore, #tpu.memory_space<semaphore_mem>>) src(%dma_wait3A_40 : memref<6400xi32, #tpu.memory_space<hbm>>) dst(%arg9 : memref<6400xi32, #tpu.memory_space<vmem>>)
        tpu.yield
      }) : () -> ()
      %scan3A_31 = arith.constant 0 : i32
      %scan3A_32 = arith.constant 0 : i32
      %scan3A_33 = arith.constant 400 : i32
      %scan3A_34 = arith.addi %scan3A_32, %scan3A_33 : i32
      %scan3A_35 = arith.constant 1 : i32
      %scan3A_36 = scf.for %scan3A_39 = %scan3A_32 to %scan3A_34 step %scan3A_35 iter_args(%scan3A_40 = %scan3A_31) -> (i32)  : i32 {
        %mul3A_41 = arith.constant 16 : i32
        %mul3A_42 = arith.muli %scan3A_39, %mul3A_41 : i32
        %get3A = arith.index_cast %mul3A_42 : i32 to index
        %get3A_43 = tpu.vector_load %arg9[%get3A] {strides = array<i32>} : memref<6400xi32, #tpu.memory_space<vmem>>, vector<16xi32>,
        %shift_right_logical3A = arith.constant 16 : i32
        %shift_right_logical3A_44 = vector.broadcast %shift_right_logical3A : i32 to vector<16xi32>
        %shift_right_logical3A_45 = arith.shrui %get3A_43, %shift_right_logical3A_44 : vector<16xi32>
        %and3A = arith.constant 65535 : i32
        %and3A_46 = vector.broadcast %and3A : i32 to vector<16xi32>
        %and3A_47 = arith.andi %get3A_43, %and3A_46 : vector<16xi32>
        %add3A_48 = arith.addi %broadcast_in_dim3A_5, %and3A_47 : vector<16xi32>
        %gather3A = tpu.vector_load_idx %arg7[%add3A_48] : memref<40000xf32, #tpu.memory_space<vmem>>[vector<16xi32>], vector<16xf32>,
        %add3A_49 = arith.addi %broadcast_in_dim3A_7, %and3A_47 : vector<16xi32>
        %gather3A_50 = tpu.vector_load_idx %arg7[%add3A_49] : memref<40000xf32, #tpu.memory_space<vmem>>[vector<16xi32>], vector<16xf32>,
        %add3A_51 = arith.addi %broadcast_in_dim3A_9, %and3A_47 : vector<16xi32>
        %gather3A_52 = tpu.vector_load_idx %arg7[%add3A_51] : memref<40000xf32, #tpu.memory_space<vmem>>[vector<16xi32>], vector<16xf32>,
        %add3A_53 = arith.addi %broadcast_in_dim3A_11, %and3A_47 : vector<16xi32>
        %gather3A_54 = tpu.vector_load_idx %arg7[%add3A_53] : memref<40000xf32, #tpu.memory_space<vmem>>[vector<16xi32>], vector<16xf32>,
        %add3A_55 = arith.addi %broadcast_in_dim3A_5, %shift_right_logical3A_45 : vector<16xi32>
        %add3A_56 = arith.addi %broadcast_in_dim3A_7, %shift_right_logical3A_45 : vector<16xi32>
        %add3A_57 = arith.addi %broadcast_in_dim3A_9, %shift_right_logical3A_45 : vector<16xi32>
        %add3A_58 = arith.addi %broadcast_in_dim3A_11, %shift_right_logical3A_45 : vector<16xi32>
        %broadcast_in_dim3A_59 = arith.constant true
        %broadcast_in_dim3A_60 = vector.broadcast %broadcast_in_dim3A_59 : i1 to vector<16xi1>
        %unique3A, %unique3A_61 = tpu.scan_count mask(%broadcast_in_dim3A_60 : vector<16xi1>) value(%shift_right_logical3A_45 : vector<16xi32>) : vector<16xi1>, vector<16xi32>
        %gather3A_62 = tpu.vector_load_idx %arg8[%add3A_55] : memref<40000xf32, #tpu.memory_space<vmem>>[vector<16xi32>], vector<16xf32>,
        %gather3A_63 = tpu.vector_load_idx %arg8[%add3A_56] : memref<40000xf32, #tpu.memory_space<vmem>>[vector<16xi32>], vector<16xf32>,
        %gather3A_64 = tpu.vector_load_idx %arg8[%add3A_57] : memref<40000xf32, #tpu.memory_space<vmem>>[vector<16xi32>], vector<16xf32>,
        %gather3A_65 = tpu.vector_load_idx %arg8[%add3A_58] : memref<40000xf32, #tpu.memory_space<vmem>>[vector<16xi32>], vector<16xf32>,
        %gt3A = arith.cmpf ogt, %gather3A, %gather3A_62 : vector<16xf32>
        tpu.vector_store_idx %arg8[%add3A_55], %gather3A masked %gt3A : memref<40000xf32, #tpu.memory_space<vmem>>[vector<16xi32>], vector<16xf32>, vector<16xi1>
        %gt3A_66 = arith.cmpf ogt, %gather3A_50, %gather3A_63 : vector<16xf32>
        tpu.vector_store_idx %arg8[%add3A_56], %gather3A_50 masked %gt3A_66 : memref<40000xf32, #tpu.memory_space<vmem>>[vector<16xi32>], vector<16xf32>, vector<16xi1>
        %gt3A_67 = arith.cmpf ogt, %gather3A_52, %gather3A_64 : vector<16xf32>
        tpu.vector_store_idx %arg8[%add3A_57], %gather3A_52 masked %gt3A_67 : memref<40000xf32, #tpu.memory_space<vmem>>[vector<16xi32>], vector<16xf32>, vector<16xi1>
        %gt3A_68 = arith.cmpf ogt, %gather3A_54, %gather3A_65 : vector<16xf32>
        tpu.vector_store_idx %arg8[%add3A_58], %gather3A_54 masked %gt3A_68 : memref<40000xf32, #tpu.memory_space<vmem>>[vector<16xi32>], vector<16xf32>, vector<16xi1>
        %reduce_and3A = arith.constant 1.000000e+00 : f32
        %reduce_and3A_69 = arith.constant 0.000000e+00 : f32
        %reduce_and3A_70 = vector.broadcast %reduce_and3A : f32 to vector<16xf32>
        %reduce_and3A_71 = vector.broadcast %reduce_and3A_69 : f32 to vector<16xf32>
        %reduce_and3A_72 = arith.select %unique3A, %reduce_and3A_70, %reduce_and3A_71 : vector<16xi1>, vector<16xf32>
        %reduce_and3A_73 = arith.constant true
        %reduce_and3A_74 = vector.broadcast %reduce_and3A_73 : i1 to vector<16xi1>
        %reduce_and3A_75 = tpu.scan <min>, %reduce_and3A_72 masked %reduce_and3A_74 : vector<16xf32>, vector<16xi1> -> vector<16xf32>
        %reduce_and3A_76 = vector.extract %reduce_and3A_75[15] : f32 from vector<16xf32>
        %reduce_and3A_77 = arith.constant 0.000000e+00 : f32
        %reduce_and3A_78 = arith.cmpf ogt, %reduce_and3A_76, %reduce_and3A_77 : f32
        %not3A = arith.constant true
        %not3A_79 = arith.xori %reduce_and3A_78, %not3A : i1
        %convert_element_type3A = arith.extui %not3A_79 : i1 to i32
        %cond3A = arith.constant 0 : i32
        %cond3A_80 = arith.cmpi ne, %convert_element_type3A, %cond3A : i32
        scf.if %cond3A_80 {
          %gather3A_82 = tpu.vector_load_idx %arg8[%add3A_55] : memref<40000xf32, #tpu.memory_space<vmem>>[vector<16xi32>], vector<16xf32>,
          %gather3A_83 = tpu.vector_load_idx %arg8[%add3A_56] : memref<40000xf32, #tpu.memory_space<vmem>>[vector<16xi32>], vector<16xf32>,
          %gather3A_84 = tpu.vector_load_idx %arg8[%add3A_57] : memref<40000xf32, #tpu.memory_space<vmem>>[vector<16xi32>], vector<16xf32>,
          %gather3A_85 = tpu.vector_load_idx %arg8[%add3A_58] : memref<40000xf32, #tpu.memory_space<vmem>>[vector<16xi32>], vector<16xf32>,
          %while3A:4 = scf.while (%while3A_86 = %gather3A_82, %while3A_87 = %gather3A_83, %while3A_88 = %gather3A_84, %while3A_89 = %gather3A_85) : (vector<16xf32>, vector<16xf32>, vector<16xf32>, vector<16xf32>) -> (vector<16xf32>, vector<16xf32>, vector<16xf32>, vector<16xf32>) {
            %gt3A_90 = arith.cmpf ogt, %gather3A, %while3A_86 : vector<16xf32>
            %reduce_or3A = arith.constant 1.000000e+00 : f32
            %reduce_or3A_91 = arith.constant 0.000000e+00 : f32
            %reduce_or3A_92 = vector.broadcast %reduce_or3A : f32 to vector<16xf32>
            %reduce_or3A_93 = vector.broadcast %reduce_or3A_91 : f32 to vector<16xf32>
            %reduce_or3A_94 = arith.select %gt3A_90, %reduce_or3A_92, %reduce_or3A_93 : vector<16xi1>, vector<16xf32>
            %reduce_or3A_95 = arith.constant true
            %reduce_or3A_96 = vector.broadcast %reduce_or3A_95 : i1 to vector<16xi1>
            %reduce_or3A_97 = tpu.scan <max>, %reduce_or3A_94 masked %reduce_or3A_96 : vector<16xf32>, vector<16xi1> -> vector<16xf32>
            %reduce_or3A_98 = vector.extract %reduce_or3A_97[15] : f32 from vector<16xf32>
            %reduce_or3A_99 = arith.constant 0.000000e+00 : f32
            %reduce_or3A_100 = arith.cmpf ogt, %reduce_or3A_98, %reduce_or3A_99 : f32
            %gt3A_101 = arith.cmpf ogt, %gather3A_50, %while3A_87 : vector<16xf32>
            %reduce_or3A_102 = arith.constant 1.000000e+00 : f32
            %reduce_or3A_103 = arith.constant 0.000000e+00 : f32
            %reduce_or3A_104 = vector.broadcast %reduce_or3A_102 : f32 to vector<16xf32>
            %reduce_or3A_105 = vector.broadcast %reduce_or3A_103 : f32 to vector<16xf32>
            %reduce_or3A_106 = arith.select %gt3A_101, %reduce_or3A_104, %reduce_or3A_105 : vector<16xi1>, vector<16xf32>
            %reduce_or3A_107 = arith.constant true
            %reduce_or3A_108 = vector.broadcast %reduce_or3A_107 : i1 to vector<16xi1>
            %reduce_or3A_109 = tpu.scan <max>, %reduce_or3A_106 masked %reduce_or3A_108 : vector<16xf32>, vector<16xi1> -> vector<16xf32>
            %reduce_or3A_110 = vector.extract %reduce_or3A_109[15] : f32 from vector<16xf32>
            %reduce_or3A_111 = arith.constant 0.000000e+00 : f32
            %reduce_or3A_112 = arith.cmpf ogt, %reduce_or3A_110, %reduce_or3A_111 : f32
            %or3A = arith.ori %reduce_or3A_100, %reduce_or3A_112 : i1
            %gt3A_113 = arith.cmpf ogt, %gather3A_52, %while3A_88 : vector<16xf32>
            %reduce_or3A_114 = arith.constant 1.000000e+00 : f32
            %reduce_or3A_115 = arith.constant 0.000000e+00 : f32
            %reduce_or3A_116 = vector.broadcast %reduce_or3A_114 : f32 to vector<16xf32>
            %reduce_or3A_117 = vector.broadcast %reduce_or3A_115 : f32 to vector<16xf32>
            %reduce_or3A_118 = arith.select %gt3A_113, %reduce_or3A_116, %reduce_or3A_117 : vector<16xi1>, vector<16xf32>
            %reduce_or3A_119 = arith.constant true
            %reduce_or3A_120 = vector.broadcast %reduce_or3A_119 : i1 to vector<16xi1>
            %reduce_or3A_121 = tpu.scan <max>, %reduce_or3A_118 masked %reduce_or3A_120 : vector<16xf32>, vector<16xi1> -> vector<16xf32>
            %reduce_or3A_122 = vector.extract %reduce_or3A_121[15] : f32 from vector<16xf32>
            %reduce_or3A_123 = arith.constant 0.000000e+00 : f32
            %reduce_or3A_124 = arith.cmpf ogt, %reduce_or3A_122, %reduce_or3A_123 : f32
            %or3A_125 = arith.ori %or3A, %reduce_or3A_124 : i1
            %gt3A_126 = arith.cmpf ogt, %gather3A_54, %while3A_89 : vector<16xf32>
            %reduce_or3A_127 = arith.constant 1.000000e+00 : f32
            %reduce_or3A_128 = arith.constant 0.000000e+00 : f32
            %reduce_or3A_129 = vector.broadcast %reduce_or3A_127 : f32 to vector<16xf32>
            %reduce_or3A_130 = vector.broadcast %reduce_or3A_128 : f32 to vector<16xf32>
            %reduce_or3A_131 = arith.select %gt3A_126, %reduce_or3A_129, %reduce_or3A_130 : vector<16xi1>, vector<16xf32>
            %reduce_or3A_132 = arith.constant true
            %reduce_or3A_133 = vector.broadcast %reduce_or3A_132 : i1 to vector<16xi1>
            %reduce_or3A_134 = tpu.scan <max>, %reduce_or3A_131 masked %reduce_or3A_133 : vector<16xf32>, vector<16xi1> -> vector<16xf32>
            %reduce_or3A_135 = vector.extract %reduce_or3A_134[15] : f32 from vector<16xf32>
            %reduce_or3A_136 = arith.constant 0.000000e+00 : f32
            %reduce_or3A_137 = arith.cmpf ogt, %reduce_or3A_135, %reduce_or3A_136 : f32
            %or3A_138 = arith.ori %or3A_125, %reduce_or3A_137 : i1
            scf.condition(%or3A_138) %while3A_86, %while3A_87, %while3A_88, %while3A_89 : vector<16xf32>, vector<16xf32>, vector<16xf32>, vector<16xf32>
          } do {
          ^bb0(%while3A_86: vector<16xf32>, %while3A_87: vector<16xf32>, %while3A_88: vector<16xf32>, %while3A_89: vector<16xf32>):
            %gt3A_90 = arith.cmpf ogt, %gather3A, %while3A_86 : vector<16xf32>
            tpu.vector_store_idx %arg8[%add3A_55], %gather3A masked %gt3A_90 : memref<40000xf32, #tpu.memory_space<vmem>>[vector<16xi32>], vector<16xf32>, vector<16xi1>
            %gt3A_91 = arith.cmpf ogt, %gather3A_50, %while3A_87 : vector<16xf32>
            tpu.vector_store_idx %arg8[%add3A_56], %gather3A_50 masked %gt3A_91 : memref<40000xf32, #tpu.memory_space<vmem>>[vector<16xi32>], vector<16xf32>, vector<16xi1>
            %gt3A_92 = arith.cmpf ogt, %gather3A_52, %while3A_88 : vector<16xf32>
            tpu.vector_store_idx %arg8[%add3A_57], %gather3A_52 masked %gt3A_92 : memref<40000xf32, #tpu.memory_space<vmem>>[vector<16xi32>], vector<16xf32>, vector<16xi1>
            %gt3A_93 = arith.cmpf ogt, %gather3A_54, %while3A_89 : vector<16xf32>
            tpu.vector_store_idx %arg8[%add3A_58], %gather3A_54 masked %gt3A_93 : memref<40000xf32, #tpu.memory_space<vmem>>[vector<16xi32>], vector<16xf32>, vector<16xi1>
            %gather3A_94 = tpu.vector_load_idx %arg8[%add3A_55] : memref<40000xf32, #tpu.memory_space<vmem>>[vector<16xi32>], vector<16xf32>,
            %gather3A_95 = tpu.vector_load_idx %arg8[%add3A_56] : memref<40000xf32, #tpu.memory_space<vmem>>[vector<16xi32>], vector<16xf32>,
            %gather3A_96 = tpu.vector_load_idx %arg8[%add3A_57] : memref<40000xf32, #tpu.memory_space<vmem>>[vector<16xi32>], vector<16xf32>,
            %gather3A_97 = tpu.vector_load_idx %arg8[%add3A_58] : memref<40000xf32, #tpu.memory_space<vmem>>[vector<16xi32>], vector<16xf32>,
            scf.yield %gather3A_94, %gather3A_95, %gather3A_96, %gather3A_97 : vector<16xf32>, vector<16xf32>, vector<16xf32>, vector<16xf32>
          }
        } else {
        }
        %scan3A_81 = arith.constant 0 : i32
        scf.yield %scan3A_81 : i32
      }
      %scan3A_37 = arith.constant 400 : i32
      %scan3A_38 = arith.constant 0 : i32
      scf.yield %scan3A_38 : i32
    }
    %scan3A_19 = arith.constant 50 : i32
    "tpu.region"() ({
      %run_scoped3A = tpu.sem_alloc : memref<!tpu.dma_semaphore, #tpu.memory_space<semaphore_mem>>
      %dma_start3A = tpu.memref_slice %arg5[%mul3A_4] : memref<1280000xf32, #tpu.memory_space<hbm>> -> memref<40000xf32, #tpu.memory_space<hbm>>
      %dma_start3A_27 = tpu.memref_slice %arg5[%mul3A_4] : memref<1280000xf32, #tpu.memory_space<hbm>> -> memref<40000xf32, #tpu.memory_space<hbm>>
      tpu.enqueue_dma source(%arg8 : memref<40000xf32, #tpu.memory_space<vmem>>) target(%dma_start3A_27 : memref<40000xf32, #tpu.memory_space<hbm>>) target_semaphore(%run_scoped3A : memref<!tpu.dma_semaphore, #tpu.memory_space<semaphore_mem>>)
      %dma_wait3A = tpu.memref_slice %arg5[%mul3A_4] : memref<1280000xf32, #tpu.memory_space<hbm>> -> memref<40000xf32, #tpu.memory_space<hbm>>
      %dma_wait3A_28 = tpu.memref_slice %arg5[%mul3A_4] : memref<1280000xf32, #tpu.memory_space<hbm>> -> memref<40000xf32, #tpu.memory_space<hbm>>
      tpu.wait_dma2 semaphore(%run_scoped3A : memref<!tpu.dma_semaphore, #tpu.memory_space<semaphore_mem>>) src(%arg8 : memref<40000xf32, #tpu.memory_space<vmem>>) dst(%dma_wait3A_28 : memref<40000xf32, #tpu.memory_space<hbm>>)
      tpu.yield
    }) : () -> ()
    "tpu.region"() ({
      %run_scoped3A = tpu.sem_alloc : memref<!tpu.dma_semaphore, #tpu.memory_space<semaphore_mem>>
      %dma_start3A = tpu.memref_slice %arg4[%mul3A_4] : memref<1280000xf32, #tpu.memory_space<hbm>> -> memref<40000xf32, #tpu.memory_space<hbm>>
      %dma_start3A_27 = tpu.memref_slice %arg4[%mul3A_4] : memref<1280000xf32, #tpu.memory_space<hbm>> -> memref<40000xf32, #tpu.memory_space<hbm>>
      tpu.enqueue_dma source(%dma_start3A_27 : memref<40000xf32, #tpu.memory_space<hbm>>) target(%arg7 : memref<40000xf32, #tpu.memory_space<vmem>>) target_semaphore(%run_scoped3A : memref<!tpu.dma_semaphore, #tpu.memory_space<semaphore_mem>>)
      %dma_wait3A = tpu.memref_slice %arg4[%mul3A_4] : memref<1280000xf32, #tpu.memory_space<hbm>> -> memref<40000xf32, #tpu.memory_space<hbm>>
      %dma_wait3A_28 = tpu.memref_slice %arg4[%mul3A_4] : memref<1280000xf32, #tpu.memory_space<hbm>> -> memref<40000xf32, #tpu.memory_space<hbm>>
      tpu.wait_dma2 semaphore(%run_scoped3A : memref<!tpu.dma_semaphore, #tpu.memory_space<semaphore_mem>>) src(%dma_wait3A_28 : memref<40000xf32, #tpu.memory_space<hbm>>) dst(%arg7 : memref<40000xf32, #tpu.memory_space<vmem>>)
      tpu.yield
    }) : () -> ()
    %scan3A_20 = arith.constant 0 : i32
    %scan3A_21 = arith.constant 0 : i32
    %scan3A_22 = arith.constant 50 : i32
    %scan3A_23 = arith.addi %scan3A_21, %scan3A_22 : i32
    %scan3A_24 = arith.constant 1 : i32
    %scan3A_25 = scf.for %scan3A_27 = %scan3A_21 to %scan3A_23 step %scan3A_24 iter_args(%scan3A_28 = %scan3A_20) -> (i32)  : i32 {
      %mul3A_29 = arith.constant 6400 : i32
      %mul3A_30 = arith.muli %scan3A_27, %mul3A_29 : i32
      "tpu.region"() ({
        %run_scoped3A = tpu.sem_alloc : memref<!tpu.dma_semaphore, #tpu.memory_space<semaphore_mem>>
        %dma_start3A = tpu.memref_slice %arg2[%mul3A_30] : memref<320000xi32, #tpu.memory_space<hbm>> -> memref<6400xi32, #tpu.memory_space<hbm>>
        %dma_start3A_32 = tpu.memref_slice %arg2[%mul3A_30] : memref<320000xi32, #tpu.memory_space<hbm>> -> memref<6400xi32, #tpu.memory_space<hbm>>
        tpu.enqueue_dma source(%dma_start3A_32 : memref<6400xi32, #tpu.memory_space<hbm>>) target(%arg9 : memref<6400xi32, #tpu.memory_space<vmem>>) target_semaphore(%run_scoped3A : memref<!tpu.dma_semaphore, #tpu.memory_space<semaphore_mem>>)
        %dma_wait3A = tpu.memref_slice %arg2[%mul3A_30] : memref<320000xi32, #tpu.memory_space<hbm>> -> memref<6400xi32, #tpu.memory_space<hbm>>
        %dma_wait3A_33 = tpu.memref_slice %arg2[%mul3A_30] : memref<320000xi32, #tpu.memory_space<hbm>> -> memref<6400xi32, #tpu.memory_space<hbm>>
        tpu.wait_dma2 semaphore(%run_scoped3A : memref<!tpu.dma_semaphore, #tpu.memory_space<semaphore_mem>>) src(%dma_wait3A_33 : memref<6400xi32, #tpu.memory_space<hbm>>) dst(%arg9 : memref<6400xi32, #tpu.memory_space<vmem>>)
        tpu.yield
      }) : () -> ()
      %scan3A_31 = arith.constant 0 : i32
      scf.yield %scan3A_31 : i32
    }
    %scan3A_26 = arith.constant 50 : i32
    "tpu.region"() ({
      %run_scoped3A = tpu.sem_alloc : memref<!tpu.dma_semaphore, #tpu.memory_space<semaphore_mem>>
      %dma_start3A = tpu.memref_slice %arg6[%mul3A_4] : memref<1280000xf32, #tpu.memory_space<hbm>> -> memref<40000xf32, #tpu.memory_space<hbm>>
      %dma_start3A_27 = tpu.memref_slice %arg6[%mul3A_4] : memref<1280000xf32, #tpu.memory_space<hbm>> -> memref<40000xf32, #tpu.memory_space<hbm>>
      tpu.enqueue_dma source(%arg8 : memref<40000xf32, #tpu.memory_space<vmem>>) target(%dma_start3A_27 : memref<40000xf32, #tpu.memory_space<hbm>>) target_semaphore(%run_scoped3A : memref<!tpu.dma_semaphore, #tpu.memory_space<semaphore_mem>>)
      %dma_wait3A = tpu.memref_slice %arg6[%mul3A_4] : memref<1280000xf32, #tpu.memory_space<hbm>> -> memref<40000xf32, #tpu.memory_space<hbm>>
      %dma_wait3A_28 = tpu.memref_slice %arg6[%mul3A_4] : memref<1280000xf32, #tpu.memory_space<hbm>> -> memref<40000xf32, #tpu.memory_space<hbm>>
      tpu.wait_dma2 semaphore(%run_scoped3A : memref<!tpu.dma_semaphore, #tpu.memory_space<semaphore_mem>>) src(%arg8 : memref<40000xf32, #tpu.memory_space<vmem>>) dst(%dma_wait3A_28 : memref<40000xf32, #tpu.memory_space<hbm>>)
      tpu.yield
    }) : () -> ()
    return
  }
}

#map = affine_map<(d0, d1) -> (0)>
module attributes {stable_mosaic.version = 14 : i64} {
  func.func @head_pass(%arg0: i32, %arg1: i32, %arg2: memref<320000xi32, #tpu.memory_space<hbm>>, %arg3: memref<1280000xf32, #tpu.memory_space<hbm>>, %arg4: memref<1280000xf32, #tpu.memory_space<hbm>>, %arg5: memref<40000xf32, #tpu.memory_space<vmem>>, %arg6: memref<40000xf32, #tpu.memory_space<vmem>>, %arg7: memref<10000xi32, #tpu.memory_space<vmem>>) attributes {dimension_semantics = [#tpu.dimension_semantics<core_parallel>, #tpu.dimension_semantics<subcore_parallel>], iteration_bounds = array<i64: 2, 16>, scalar_prefetch = 0 : i64, scratch_operands = 3 : i64, tpu.core_type = #tpu.core_type<sc_vector_subcore>, window_params = [{transform_indices = #map}, {transform_indices = #map}, {transform_indices = #map}]} {
    %mul3A = arith.constant 2 : i32
    %mul3A_0 = arith.muli %arg1, %mul3A : i32
    %add3A = arith.addi %mul3A_0, %arg0 : i32
    %mul3A_1 = arith.constant 4 : i32
    %mul3A_2 = arith.muli %add3A, %mul3A_1 : i32
    %mul3A_3 = arith.constant 10000 : i32
    %mul3A_4 = arith.muli %mul3A_2, %mul3A_3 : i32
    %broadcast_in_dim3A = arith.constant 0 : i32
    %broadcast_in_dim3A_5 = vector.broadcast %broadcast_in_dim3A : i32 to vector<16xi32>
    %broadcast_in_dim3A_6 = arith.constant 10000 : i32
    %broadcast_in_dim3A_7 = vector.broadcast %broadcast_in_dim3A_6 : i32 to vector<16xi32>
    %broadcast_in_dim3A_8 = arith.constant 20000 : i32
    %broadcast_in_dim3A_9 = vector.broadcast %broadcast_in_dim3A_8 : i32 to vector<16xi32>
    %broadcast_in_dim3A_10 = arith.constant 30000 : i32
    %broadcast_in_dim3A_11 = vector.broadcast %broadcast_in_dim3A_10 : i32 to vector<16xi32>
    %broadcast_in_dim3A_12 = arith.constant 1.000000e+00 : f32
    %broadcast_in_dim3A_13 = vector.broadcast %broadcast_in_dim3A_12 : f32 to vector<16xf32>
    "tpu.region"() ({
      %run_scoped3A = tpu.sem_alloc : memref<!tpu.dma_semaphore, #tpu.memory_space<semaphore_mem>>
      %dma_start3A = tpu.memref_slice %arg3[%mul3A_4] : memref<1280000xf32, #tpu.memory_space<hbm>> -> memref<40000xf32, #tpu.memory_space<hbm>>
      %dma_start3A_14 = tpu.memref_slice %arg3[%mul3A_4] : memref<1280000xf32, #tpu.memory_space<hbm>> -> memref<40000xf32, #tpu.memory_space<hbm>>
      tpu.enqueue_dma source(%dma_start3A_14 : memref<40000xf32, #tpu.memory_space<hbm>>) target(%arg5 : memref<40000xf32, #tpu.memory_space<vmem>>) target_semaphore(%run_scoped3A : memref<!tpu.dma_semaphore, #tpu.memory_space<semaphore_mem>>)
      %dma_wait3A = tpu.memref_slice %arg3[%mul3A_4] : memref<1280000xf32, #tpu.memory_space<hbm>> -> memref<40000xf32, #tpu.memory_space<hbm>>
      %dma_wait3A_15 = tpu.memref_slice %arg3[%mul3A_4] : memref<1280000xf32, #tpu.memory_space<hbm>> -> memref<40000xf32, #tpu.memory_space<hbm>>
      tpu.wait_dma2 semaphore(%run_scoped3A : memref<!tpu.dma_semaphore, #tpu.memory_space<semaphore_mem>>) src(%dma_wait3A_15 : memref<40000xf32, #tpu.memory_space<hbm>>) dst(%arg5 : memref<40000xf32, #tpu.memory_space<vmem>>)
      tpu.yield
    }) : () -> ()
    "tpu.region"() ({
      %run_scoped3A = tpu.sem_alloc : memref<!tpu.dma_semaphore, #tpu.memory_space<semaphore_mem>>
      %dma_start3A = arith.constant 0 : i32
      %dma_start3A_14 = tpu.memref_slice %arg2[%dma_start3A] : memref<320000xi32, #tpu.memory_space<hbm>> -> memref<10000xi32, #tpu.memory_space<hbm>>
      %dma_start3A_15 = arith.constant 0 : i32
      %dma_start3A_16 = tpu.memref_slice %arg2[%dma_start3A_15] : memref<320000xi32, #tpu.memory_space<hbm>> -> memref<10000xi32, #tpu.memory_space<hbm>>
      tpu.enqueue_dma source(%dma_start3A_16 : memref<10000xi32, #tpu.memory_space<hbm>>) target(%arg7 : memref<10000xi32, #tpu.memory_space<vmem>>) target_semaphore(%run_scoped3A : memref<!tpu.dma_semaphore, #tpu.memory_space<semaphore_mem>>)
      %dma_wait3A = arith.constant 0 : i32
      %dma_wait3A_17 = tpu.memref_slice %arg2[%dma_wait3A] : memref<320000xi32, #tpu.memory_space<hbm>> -> memref<10000xi32, #tpu.memory_space<hbm>>
      %dma_wait3A_18 = arith.constant 0 : i32
      %dma_wait3A_19 = tpu.memref_slice %arg2[%dma_wait3A_18] : memref<320000xi32, #tpu.memory_space<hbm>> -> memref<10000xi32, #tpu.memory_space<hbm>>
      tpu.wait_dma2 semaphore(%run_scoped3A : memref<!tpu.dma_semaphore, #tpu.memory_space<semaphore_mem>>) src(%dma_wait3A_19 : memref<10000xi32, #tpu.memory_space<hbm>>) dst(%arg7 : memref<10000xi32, #tpu.memory_space<vmem>>)
      tpu.yield
    }) : () -> ()
    "tpu.region"() ({
      %run_scoped3A = tpu.sem_alloc : memref<!tpu.dma_semaphore, #tpu.memory_space<semaphore_mem>>
      %dma_start3A = tpu.memref_slice %arg4[%mul3A_4] : memref<1280000xf32, #tpu.memory_space<hbm>> -> memref<40000xf32, #tpu.memory_space<hbm>>
      %dma_start3A_14 = tpu.memref_slice %arg4[%mul3A_4] : memref<1280000xf32, #tpu.memory_space<hbm>> -> memref<40000xf32, #tpu.memory_space<hbm>>
      tpu.enqueue_dma source(%arg6 : memref<40000xf32, #tpu.memory_space<vmem>>) target(%dma_start3A_14 : memref<40000xf32, #tpu.memory_space<hbm>>) target_semaphore(%run_scoped3A : memref<!tpu.dma_semaphore, #tpu.memory_space<semaphore_mem>>)
      %dma_wait3A = tpu.memref_slice %arg4[%mul3A_4] : memref<1280000xf32, #tpu.memory_space<hbm>> -> memref<40000xf32, #tpu.memory_space<hbm>>
      %dma_wait3A_15 = tpu.memref_slice %arg4[%mul3A_4] : memref<1280000xf32, #tpu.memory_space<hbm>> -> memref<40000xf32, #tpu.memory_space<hbm>>
      tpu.wait_dma2 semaphore(%run_scoped3A : memref<!tpu.dma_semaphore, #tpu.memory_space<semaphore_mem>>) src(%arg6 : memref<40000xf32, #tpu.memory_space<vmem>>) dst(%dma_wait3A_15 : memref<40000xf32, #tpu.memory_space<hbm>>)
      tpu.yield
    }) : () -> ()
    return
  }
}

#map = affine_map<(d0, d1) -> (0)>
module attributes {stable_mosaic.version = 14 : i64} {
  func.func @head_pass(%arg0: i32, %arg1: i32, %arg2: memref<320000xi32, #tpu.memory_space<hbm>>, %arg3: memref<1280000xf32, #tpu.memory_space<hbm>>, %arg4: memref<1280000xf32, #tpu.memory_space<hbm>>, %arg5: memref<10000xf32, #tpu.memory_space<hbm>>, %arg6: memref<40000xf32, #tpu.memory_space<vmem>>, %arg7: memref<40000xf32, #tpu.memory_space<vmem>>, %arg8: memref<10000xi32, #tpu.memory_space<vmem>>, %arg9: memref<10000xf32, #tpu.memory_space<vmem>>) attributes {dimension_semantics = [#tpu.dimension_semantics<core_parallel>, #tpu.dimension_semantics<subcore_parallel>], iteration_bounds = array<i64: 2, 16>, scalar_prefetch = 0 : i64, scratch_operands = 4 : i64, tpu.core_type = #tpu.core_type<sc_vector_subcore>, window_params = [{transform_indices = #map}, {transform_indices = #map}, {transform_indices = #map}, {transform_indices = #map}]} {
    %mul3A = arith.constant 2 : i32
    %mul3A_0 = arith.muli %arg1, %mul3A : i32
    %add3A = arith.addi %mul3A_0, %arg0 : i32
    %mul3A_1 = arith.constant 4 : i32
    %mul3A_2 = arith.muli %add3A, %mul3A_1 : i32
    %mul3A_3 = arith.constant 10000 : i32
    %mul3A_4 = arith.muli %mul3A_2, %mul3A_3 : i32
    %broadcast_in_dim3A = arith.constant 0 : i32
    %broadcast_in_dim3A_5 = vector.broadcast %broadcast_in_dim3A : i32 to vector<16xi32>
    %broadcast_in_dim3A_6 = arith.constant 10000 : i32
    %broadcast_in_dim3A_7 = vector.broadcast %broadcast_in_dim3A_6 : i32 to vector<16xi32>
    %broadcast_in_dim3A_8 = arith.constant 20000 : i32
    %broadcast_in_dim3A_9 = vector.broadcast %broadcast_in_dim3A_8 : i32 to vector<16xi32>
    %broadcast_in_dim3A_10 = arith.constant 30000 : i32
    %broadcast_in_dim3A_11 = vector.broadcast %broadcast_in_dim3A_10 : i32 to vector<16xi32>
    %broadcast_in_dim3A_12 = arith.constant 1.000000e+00 : f32
    %broadcast_in_dim3A_13 = vector.broadcast %broadcast_in_dim3A_12 : f32 to vector<16xf32>
    "tpu.region"() ({
      %run_scoped3A = tpu.sem_alloc : memref<!tpu.dma_semaphore, #tpu.memory_space<semaphore_mem>>
      %dma_start3A = tpu.memref_slice %arg3[%mul3A_4] : memref<1280000xf32, #tpu.memory_space<hbm>> -> memref<40000xf32, #tpu.memory_space<hbm>>
      %dma_start3A_16 = tpu.memref_slice %arg3[%mul3A_4] : memref<1280000xf32, #tpu.memory_space<hbm>> -> memref<40000xf32, #tpu.memory_space<hbm>>
      tpu.enqueue_dma source(%dma_start3A_16 : memref<40000xf32, #tpu.memory_space<hbm>>) target(%arg6 : memref<40000xf32, #tpu.memory_space<vmem>>) target_semaphore(%run_scoped3A : memref<!tpu.dma_semaphore, #tpu.memory_space<semaphore_mem>>)
      %dma_wait3A = tpu.memref_slice %arg3[%mul3A_4] : memref<1280000xf32, #tpu.memory_space<hbm>> -> memref<40000xf32, #tpu.memory_space<hbm>>
      %dma_wait3A_17 = tpu.memref_slice %arg3[%mul3A_4] : memref<1280000xf32, #tpu.memory_space<hbm>> -> memref<40000xf32, #tpu.memory_space<hbm>>
      tpu.wait_dma2 semaphore(%run_scoped3A : memref<!tpu.dma_semaphore, #tpu.memory_space<semaphore_mem>>) src(%dma_wait3A_17 : memref<40000xf32, #tpu.memory_space<hbm>>) dst(%arg6 : memref<40000xf32, #tpu.memory_space<vmem>>)
      tpu.yield
    }) : () -> ()
    "tpu.region"() ({
      %run_scoped3A = tpu.sem_alloc : memref<!tpu.dma_semaphore, #tpu.memory_space<semaphore_mem>>
      %dma_start3A = arith.constant 0 : i32
      %dma_start3A_16 = tpu.memref_slice %arg2[%dma_start3A] : memref<320000xi32, #tpu.memory_space<hbm>> -> memref<10000xi32, #tpu.memory_space<hbm>>
      %dma_start3A_17 = arith.constant 0 : i32
      %dma_start3A_18 = tpu.memref_slice %arg2[%dma_start3A_17] : memref<320000xi32, #tpu.memory_space<hbm>> -> memref<10000xi32, #tpu.memory_space<hbm>>
      tpu.enqueue_dma source(%dma_start3A_18 : memref<10000xi32, #tpu.memory_space<hbm>>) target(%arg8 : memref<10000xi32, #tpu.memory_space<vmem>>) target_semaphore(%run_scoped3A : memref<!tpu.dma_semaphore, #tpu.memory_space<semaphore_mem>>)
      %dma_wait3A = arith.constant 0 : i32
      %dma_wait3A_19 = tpu.memref_slice %arg2[%dma_wait3A] : memref<320000xi32, #tpu.memory_space<hbm>> -> memref<10000xi32, #tpu.memory_space<hbm>>
      %dma_wait3A_20 = arith.constant 0 : i32
      %dma_wait3A_21 = tpu.memref_slice %arg2[%dma_wait3A_20] : memref<320000xi32, #tpu.memory_space<hbm>> -> memref<10000xi32, #tpu.memory_space<hbm>>
      tpu.wait_dma2 semaphore(%run_scoped3A : memref<!tpu.dma_semaphore, #tpu.memory_space<semaphore_mem>>) src(%dma_wait3A_21 : memref<10000xi32, #tpu.memory_space<hbm>>) dst(%arg8 : memref<10000xi32, #tpu.memory_space<vmem>>)
      tpu.yield
    }) : () -> ()
    "tpu.region"() ({
      %run_scoped3A = tpu.sem_alloc : memref<!tpu.dma_semaphore, #tpu.memory_space<semaphore_mem>>
      %dma_start3A = tpu.memref_slice %arg4[%mul3A_4] : memref<1280000xf32, #tpu.memory_space<hbm>> -> memref<40000xf32, #tpu.memory_space<hbm>>
      %dma_start3A_16 = tpu.memref_slice %arg4[%mul3A_4] : memref<1280000xf32, #tpu.memory_space<hbm>> -> memref<40000xf32, #tpu.memory_space<hbm>>
      tpu.enqueue_dma source(%arg7 : memref<40000xf32, #tpu.memory_space<vmem>>) target(%dma_start3A_16 : memref<40000xf32, #tpu.memory_space<hbm>>) target_semaphore(%run_scoped3A : memref<!tpu.dma_semaphore, #tpu.memory_space<semaphore_mem>>)
      %dma_wait3A = tpu.memref_slice %arg4[%mul3A_4] : memref<1280000xf32, #tpu.memory_space<hbm>> -> memref<40000xf32, #tpu.memory_space<hbm>>
      %dma_wait3A_17 = tpu.memref_slice %arg4[%mul3A_4] : memref<1280000xf32, #tpu.memory_space<hbm>> -> memref<40000xf32, #tpu.memory_space<hbm>>
      tpu.wait_dma2 semaphore(%run_scoped3A : memref<!tpu.dma_semaphore, #tpu.memory_space<semaphore_mem>>) src(%arg7 : memref<40000xf32, #tpu.memory_space<vmem>>) dst(%dma_wait3A_17 : memref<40000xf32, #tpu.memory_space<hbm>>)
      tpu.yield
    }) : () -> ()
    %eq3A = arith.constant 0 : i32
    %eq3A_14 = arith.cmpi eq, %add3A, %eq3A : i32
    %convert_element_type3A = arith.extui %eq3A_14 : i1 to i32
    %cond3A = arith.constant 0 : i32
    %cond3A_15 = arith.cmpi ne, %convert_element_type3A, %cond3A : i32
    scf.if %cond3A_15 {
      "tpu.region"() ({
        %run_scoped3A = tpu.sem_alloc : memref<!tpu.dma_semaphore, #tpu.memory_space<semaphore_mem>>
        tpu.enqueue_dma source(%arg9 : memref<10000xf32, #tpu.memory_space<vmem>>) target(%arg5 : memref<10000xf32, #tpu.memory_space<hbm>>) target_semaphore(%run_scoped3A : memref<!tpu.dma_semaphore, #tpu.memory_space<semaphore_mem>>)
        tpu.wait_dma2 semaphore(%run_scoped3A : memref<!tpu.dma_semaphore, #tpu.memory_space<semaphore_mem>>) src(%arg9 : memref<10000xf32, #tpu.memory_space<vmem>>) dst(%arg5 : memref<10000xf32, #tpu.memory_space<hbm>>)
        tpu.yield
      }) : () -> ()
    } else {
    }
    return
  }
}

module attributes {stable_mosaic.version = 14 : i64} {
  func.func @_tc0_body(%arg0: memref<1x10000xi32, #tpu.memory_space<vmem>>, %arg1: memref<1x10000xi32, #tpu.memory_space<vmem>>, %arg2: memref<2x320000xi32, #tpu.memory_space<vmem>>, %arg3: memref<100x128xf32, #tpu.memory_space<vmem>>, %arg4: memref<16x128xf32, #tpu.memory_space<vmem>>, %arg5: memref<256x128xf32, #tpu.memory_space<vmem>>, %arg6: memref<128x10000xf32, #tpu.memory_space<vmem>>, %arg7: memref<128x10000xf32, #tpu.memory_space<vmem>>, %arg8: memref<128x10000xf32, #tpu.memory_space<vmem>>, %arg9: memref<1x320000xi32, #tpu.memory_space<vmem>>) attributes {dimension_semantics = [], scalar_prefetch = 0 : i64, scratch_operands = 0 : i64, tpu.core_type = #tpu.core_type<tc>} {
    %iota3A = tpu.iota {dimensions = array<i32: 0>} : vector<100x10000xi32>
    %get3A = arith.constant 0 : index
    %get3A_0 = arith.constant 0 : index
    %get3A_1 = vector.load %arg0[%get3A, %get3A_0] : memref<1x10000xi32, #tpu.memory_space<vmem>>, vector<1x10000xi32>
    %eq3A = vector.broadcast %get3A_1 : vector<1x10000xi32> to vector<100x10000xi32>
    %eq3A_2 = arith.cmpi eq, %iota3A, %eq3A : vector<100x10000xi32>
    %convert_element_type3A = arith.extui %eq3A_2 : vector<100x10000xi1> to vector<100x10000xi32>
    %convert_element_type3A_3 = arith.sitofp %convert_element_type3A : vector<100x10000xi32> to vector<100x10000xf32>
    %get3A_4 = arith.constant 0 : index
    %get3A_5 = arith.constant 0 : index
    %get3A_6 = vector.load %arg3[%get3A_4, %get3A_5] : memref<100x128xf32, #tpu.memory_space<vmem>>, vector<100x128xf32>
    %dot_general3A = arith.constant dense<0.000000e+00> : vector<128x10000xf32>
    %dot_general3A_7 = tpu.matmul %get3A_6, %convert_element_type3A_3, %dot_general3A {dimension_numbers = #tpu.dot_dimension_numbers<[0], [0], [1], [1], [0, 1, 1, 1], [], []>, precision = #tpu.contract_precision<fp32>, transpose_lhs_hint = false} : vector<100x128xf32>, vector<100x10000xf32>, vector<128x10000xf32> -> vector<128x10000xf32>
    %max3A = arith.constant 0.000000e+00 : f32
    %max3A_8 = vector.broadcast %max3A : f32 to vector<128x10000xf32>
    %max3A_9 = arith.maximumf %dot_general3A_7, %max3A_8 : vector<128x10000xf32>
    %abs3A = math.absf %dot_general3A_7 : vector<128x10000xf32>
    %neg3A = arith.constant 0.000000e+00 : f32
    %neg3A_10 = vector.broadcast %neg3A : f32 to vector<128x10000xf32>
    %neg3A_11 = arith.subf %neg3A_10, %abs3A : vector<128x10000xf32>
    %exp3A = math.exp %neg3A_11 : vector<128x10000xf32>
    %add3A = arith.constant 1.000000e+00 : f32
    %add3A_12 = vector.broadcast %add3A : f32 to vector<128x10000xf32>
    %add3A_13 = arith.addf %add3A_12, %exp3A : vector<128x10000xf32>
    %log3A = math.log %add3A_13 : vector<128x10000xf32>
    %add3A_14 = arith.addf %max3A_9, %log3A : vector<128x10000xf32>
    %swap3A = arith.constant 0 : index
    %swap3A_15 = arith.constant 0 : index
    %swap3A_16 = vector.load %arg6[%swap3A, %swap3A_15] : memref<128x10000xf32, #tpu.memory_space<vmem>>, vector<128x10000xf32>
    tpu.vector_store %arg6[%swap3A, %swap3A_15], %add3A_14 {strides = array<i32>} : memref<128x10000xf32, #tpu.memory_space<vmem>>, vector<128x10000xf32>,
    %iota3A_17 = tpu.iota {dimensions = array<i32: 0>} : vector<16x10000xi32>
    %get3A_18 = arith.constant 0 : index
    %get3A_19 = arith.constant 0 : index
    %get3A_20 = vector.load %arg1[%get3A_18, %get3A_19] : memref<1x10000xi32, #tpu.memory_space<vmem>>, vector<1x10000xi32>
    %eq3A_21 = vector.broadcast %get3A_20 : vector<1x10000xi32> to vector<16x10000xi32>
    %eq3A_22 = arith.cmpi eq, %iota3A_17, %eq3A_21 : vector<16x10000xi32>
    %convert_element_type3A_23 = arith.extui %eq3A_22 : vector<16x10000xi1> to vector<16x10000xi32>
    %convert_element_type3A_24 = arith.sitofp %convert_element_type3A_23 : vector<16x10000xi32> to vector<16x10000xf32>
    %get3A_25 = arith.constant 0 : index
    %get3A_26 = arith.constant 0 : index
    %get3A_27 = vector.load %arg4[%get3A_25, %get3A_26] : memref<16x128xf32, #tpu.memory_space<vmem>>, vector<16x128xf32>
    %dot_general3A_28 = arith.constant dense<0.000000e+00> : vector<128x10000xf32>
    %dot_general3A_29 = tpu.matmul %get3A_27, %convert_element_type3A_24, %dot_general3A_28 {dimension_numbers = #tpu.dot_dimension_numbers<[0], [0], [1], [1], [0, 1, 1, 1], [], []>, precision = #tpu.contract_precision<fp32>, transpose_lhs_hint = false} : vector<16x128xf32>, vector<16x10000xf32>, vector<128x10000xf32> -> vector<128x10000xf32>
    %max3A_30 = arith.constant 0.000000e+00 : f32
    %max3A_31 = vector.broadcast %max3A_30 : f32 to vector<128x10000xf32>
    %max3A_32 = arith.maximumf %dot_general3A_29, %max3A_31 : vector<128x10000xf32>
    %abs3A_33 = math.absf %dot_general3A_29 : vector<128x10000xf32>
    %neg3A_34 = arith.constant 0.000000e+00 : f32
    %neg3A_35 = vector.broadcast %neg3A_34 : f32 to vector<128x10000xf32>
    %neg3A_36 = arith.subf %neg3A_35, %abs3A_33 : vector<128x10000xf32>
    %exp3A_37 = math.exp %neg3A_36 : vector<128x10000xf32>
    %add3A_38 = arith.constant 1.000000e+00 : f32
    %add3A_39 = vector.broadcast %add3A_38 : f32 to vector<128x10000xf32>
    %add3A_40 = arith.addf %add3A_39, %exp3A_37 : vector<128x10000xf32>
    %log3A_41 = math.log %add3A_40 : vector<128x10000xf32>
    %add3A_42 = arith.addf %max3A_32, %log3A_41 : vector<128x10000xf32>
    %get3A_43 = arith.constant 0 : index
    %get3A_44 = arith.constant 0 : index
    %get3A_45 = vector.load %arg5[%get3A_43, %get3A_44] : memref<256x128xf32, #tpu.memory_space<vmem>>, vector<256x128xf32>
    %slice3A = vector.extract_strided_slice %get3A_45 {offsets = [128, 0], sizes = [128, 128], strides = [1, 1]} : vector<256x128xf32> to vector<128x128xf32>
    %slice3A_46 = vector.extract_strided_slice %get3A_45 {offsets = [0, 0], sizes = [128, 128], strides = [1, 1]} : vector<256x128xf32> to vector<128x128xf32>
    %sub3A = arith.subf %slice3A_46, %slice3A : vector<128x128xf32>
    %dot_general3A_47 = arith.constant dense<0.000000e+00> : vector<128x10000xf32>
    %dot_general3A_48 = tpu.matmul %sub3A, %add3A_42, %dot_general3A_47 {dimension_numbers = #tpu.dot_dimension_numbers<[0], [0], [1], [1], [0, 1, 1, 1], [], []>, precision = #tpu.contract_precision<fp32>, transpose_lhs_hint = false} : vector<128x128xf32>, vector<128x10000xf32>, vector<128x10000xf32> -> vector<128x10000xf32>
    %swap3A_49 = arith.constant 0 : index
    %swap3A_50 = arith.constant 0 : index
    %swap3A_51 = vector.load %arg7[%swap3A_49, %swap3A_50] : memref<128x10000xf32, #tpu.memory_space<vmem>>, vector<128x10000xf32>
    tpu.vector_store %arg7[%swap3A_49, %swap3A_50], %dot_general3A_48 {strides = array<i32>} : memref<128x10000xf32, #tpu.memory_space<vmem>>, vector<128x10000xf32>,
    %dot_general3A_52 = arith.constant dense<0.000000e+00> : vector<128x10000xf32>
    %dot_general3A_53 = tpu.matmul %slice3A, %add3A_42, %dot_general3A_52 {dimension_numbers = #tpu.dot_dimension_numbers<[0], [0], [1], [1], [0, 1, 1, 1], [], []>, precision = #tpu.contract_precision<fp32>, transpose_lhs_hint = false} : vector<128x128xf32>, vector<128x10000xf32>, vector<128x10000xf32> -> vector<128x10000xf32>
    %swap3A_54 = arith.constant 0 : index
    %swap3A_55 = arith.constant 0 : index
    %swap3A_56 = vector.load %arg8[%swap3A_54, %swap3A_55] : memref<128x10000xf32, #tpu.memory_space<vmem>>, vector<128x10000xf32>
    tpu.vector_store %arg8[%swap3A_54, %swap3A_55], %dot_general3A_53 {strides = array<i32>} : memref<128x10000xf32, #tpu.memory_space<vmem>>, vector<128x10000xf32>,
    %get3A_57 = arith.constant 1 : index
    %get3A_58 = arith.constant 0 : index
    %get3A_59 = vector.load %arg2[%get3A_57, %get3A_58] : memref<2x320000xi32, #tpu.memory_space<vmem>>, vector<1x320000xi32>
    %mul3A = arith.constant 65536 : i32
    %mul3A_60 = vector.broadcast %mul3A : i32 to vector<1x320000xi32>
    %mul3A_61 = arith.muli %get3A_59, %mul3A_60 : vector<1x320000xi32>
    %get3A_62 = arith.constant 0 : index
    %get3A_63 = arith.constant 0 : index
    %get3A_64 = vector.load %arg2[%get3A_62, %get3A_63] : memref<2x320000xi32, #tpu.memory_space<vmem>>, vector<1x320000xi32>
    %add3A_65 = arith.addi %mul3A_61, %get3A_64 : vector<1x320000xi32>
    %swap3A_66 = arith.constant 0 : index
    %swap3A_67 = arith.constant 0 : index
    %swap3A_68 = vector.load %arg9[%swap3A_66, %swap3A_67] : memref<1x320000xi32, #tpu.memory_space<vmem>>, vector<1x320000xi32>
    tpu.vector_store %arg9[%swap3A_66, %swap3A_67], %add3A_65 {strides = array<i32>} : memref<1x320000xi32, #tpu.memory_space<vmem>>, vector<1x320000xi32>,
    return
  }
}

module attributes {stable_mosaic.version = 14 : i64} {
  func.func @_tc_nb_body(%arg0: memref<128x10000xf32, #tpu.memory_space<vmem>>, %arg1: memref<128x10000xf32, #tpu.memory_space<vmem>>, %arg2: memref<1x10000xf32, #tpu.memory_space<vmem>>, %arg3: memref<128x1xf32, #tpu.memory_space<vmem>>, %arg4: memref<256x128xf32, #tpu.memory_space<vmem>>, %arg5: memref<128x10000xf32, #tpu.memory_space<vmem>>, %arg6: memref<128x10000xf32, #tpu.memory_space<vmem>>, %arg7: memref<128x10000xf32, #tpu.memory_space<vmem>>) attributes {dimension_semantics = [], scalar_prefetch = 0 : i64, scratch_operands = 0 : i64, tpu.core_type = #tpu.core_type<tc>} {
    %get3A = arith.constant 0 : index
    %get3A_0 = arith.constant 0 : index
    %get3A_1 = vector.load %arg2[%get3A, %get3A_0] : memref<1x10000xf32, #tpu.memory_space<vmem>>, vector<1x10000xf32>
    %gt3A = arith.constant 0.000000e+00 : f32
    %gt3A_2 = vector.broadcast %gt3A : f32 to vector<1x10000xf32>
    %gt3A_3 = arith.cmpf ogt, %get3A_1, %gt3A_2 : vector<1x10000xf32>
    %get3A_4 = arith.constant 0 : index
    %get3A_5 = arith.constant 0 : index
    %get3A_6 = vector.load %arg0[%get3A_4, %get3A_5] : memref<128x10000xf32, #tpu.memory_space<vmem>>, vector<128x10000xf32>
    %get3A_7 = arith.constant 0 : index
    %get3A_8 = arith.constant 0 : index
    %get3A_9 = vector.load %arg1[%get3A_7, %get3A_8] : memref<128x10000xf32, #tpu.memory_space<vmem>>, vector<128x10000xf32>
    %add3A = arith.addf %get3A_6, %get3A_9 : vector<128x10000xf32>
    %get3A_10 = arith.constant 0 : index
    %get3A_11 = arith.constant 0 : index
    %get3A_12 = vector.load %arg3[%get3A_10, %get3A_11] : memref<128x1xf32, #tpu.memory_space<vmem>>, vector<128x1xf32>
    %add3A_13 = vector.broadcast %get3A_12 : vector<128x1xf32> to vector<128x10000xf32>
    %add3A_14 = arith.addf %add3A, %add3A_13 : vector<128x10000xf32>
    %max3A = arith.constant 0.000000e+00 : f32
    %max3A_15 = vector.broadcast %max3A : f32 to vector<128x10000xf32>
    %max3A_16 = arith.maximumf %add3A_14, %max3A_15 : vector<128x10000xf32>
    %abs3A = math.absf %add3A_14 : vector<128x10000xf32>
    %neg3A = arith.constant 0.000000e+00 : f32
    %neg3A_17 = vector.broadcast %neg3A : f32 to vector<128x10000xf32>
    %neg3A_18 = arith.subf %neg3A_17, %abs3A : vector<128x10000xf32>
    %exp3A = math.exp %neg3A_18 : vector<128x10000xf32>
    %add3A_19 = arith.constant 1.000000e+00 : f32
    %add3A_20 = vector.broadcast %add3A_19 : f32 to vector<128x10000xf32>
    %add3A_21 = arith.addf %add3A_20, %exp3A : vector<128x10000xf32>
    %log3A = math.log %add3A_21 : vector<128x10000xf32>
    %add3A_22 = arith.addf %max3A_16, %log3A : vector<128x10000xf32>
    %jit3A = arith.constant 0.693147182 : f32
    %broadcast_in_dim3A = vector.shape_cast %gt3A_3 : vector<1x10000xi1> to vector<1x10000xi1>
    %broadcast_in_dim3A_23 = vector.broadcast %broadcast_in_dim3A : vector<1x10000xi1> to vector<128x10000xi1>
    %broadcast_in_dim3A_24 = vector.broadcast %jit3A : f32 to vector<128x10000xf32>
    %select_n3A = arith.select %broadcast_in_dim3A_23, %add3A_22, %broadcast_in_dim3A_24 : vector<128x10000xi1>, vector<128x10000xf32>
    %swap3A = arith.constant 0 : index
    %swap3A_25 = arith.constant 0 : index
    %swap3A_26 = vector.load %arg5[%swap3A, %swap3A_25] : memref<128x10000xf32, #tpu.memory_space<vmem>>, vector<128x10000xf32>
    tpu.vector_store %arg5[%swap3A, %swap3A_25], %select_n3A {strides = array<i32>} : memref<128x10000xf32, #tpu.memory_space<vmem>>, vector<128x10000xf32>,
    %get3A_27 = arith.constant 0 : index
    %get3A_28 = arith.constant 0 : index
    %get3A_29 = vector.load %arg4[%get3A_27, %get3A_28] : memref<256x128xf32, #tpu.memory_space<vmem>>, vector<256x128xf32>
    %slice3A = vector.extract_strided_slice %get3A_29 {offsets = [128, 0], sizes = [128, 128], strides = [1, 1]} : vector<256x128xf32> to vector<128x128xf32>
    %slice3A_30 = vector.extract_strided_slice %get3A_29 {offsets = [0, 0], sizes = [128, 128], strides = [1, 1]} : vector<256x128xf32> to vector<128x128xf32>
    %sub3A = arith.subf %slice3A_30, %slice3A : vector<128x128xf32>
    %dot_general3A = arith.constant dense<0.000000e+00> : vector<128x10000xf32>
    %dot_general3A_31 = tpu.matmul %sub3A, %select_n3A, %dot_general3A {dimension_numbers = #tpu.dot_dimension_numbers<[0], [0], [1], [1], [0, 1, 1, 1], [], []>, precision = #tpu.contract_precision<fp32>, transpose_lhs_hint = false} : vector<128x128xf32>, vector<128x10000xf32>, vector<128x10000xf32> -> vector<128x10000xf32>
    %swap3A_32 = arith.constant 0 : index
    %swap3A_33 = arith.constant 0 : index
    %swap3A_34 = vector.load %arg6[%swap3A_32, %swap3A_33] : memref<128x10000xf32, #tpu.memory_space<vmem>>, vector<128x10000xf32>
    tpu.vector_store %arg6[%swap3A_32, %swap3A_33], %dot_general3A_31 {strides = array<i32>} : memref<128x10000xf32, #tpu.memory_space<vmem>>, vector<128x10000xf32>,
    %dot_general3A_35 = arith.constant dense<0.000000e+00> : vector<128x10000xf32>
    %dot_general3A_36 = tpu.matmul %slice3A, %select_n3A, %dot_general3A_35 {dimension_numbers = #tpu.dot_dimension_numbers<[0], [0], [1], [1], [0, 1, 1, 1], [], []>, precision = #tpu.contract_precision<fp32>, transpose_lhs_hint = false} : vector<128x128xf32>, vector<128x10000xf32>, vector<128x10000xf32> -> vector<128x10000xf32>
    %swap3A_37 = arith.constant 0 : index
    %swap3A_38 = arith.constant 0 : index
    %swap3A_39 = vector.load %arg7[%swap3A_37, %swap3A_38] : memref<128x10000xf32, #tpu.memory_space<vmem>>, vector<128x10000xf32>
    tpu.vector_store %arg7[%swap3A_37, %swap3A_38], %dot_general3A_36 {strides = array<i32>} : memref<128x10000xf32, #tpu.memory_space<vmem>>, vector<128x10000xf32>,
    return
  }
}

module attributes {stable_mosaic.version = 14 : i64} {
  func.func @_tc2_body(%arg0: memref<128x10000xf32, #tpu.memory_space<vmem>>, %arg1: memref<128x10000xf32, #tpu.memory_space<vmem>>, %arg2: memref<1x10000xf32, #tpu.memory_space<vmem>>, %arg3: memref<1x10000xf32, #tpu.memory_space<vmem>>, %arg4: memref<128x10000xf32, #tpu.memory_space<vmem>>, %arg5: memref<128x128xf32, #tpu.memory_space<vmem>>, %arg6: memref<128x128xf32, #tpu.memory_space<vmem>>, %arg7: memref<128x1xf32, #tpu.memory_space<vmem>>, %arg8: memref<128x10000xf32, #tpu.memory_space<vmem>>) attributes {dimension_semantics = [], scalar_prefetch = 0 : i64, scratch_operands = 0 : i64, tpu.core_type = #tpu.core_type<tc>} {
    %get3A = arith.constant 0 : index
    %get3A_0 = arith.constant 0 : index
    %get3A_1 = vector.load %arg0[%get3A, %get3A_0] : memref<128x10000xf32, #tpu.memory_space<vmem>>, vector<128x10000xf32>
    %get3A_2 = arith.constant 0 : index
    %get3A_3 = arith.constant 0 : index
    %get3A_4 = vector.load %arg1[%get3A_2, %get3A_3] : memref<128x10000xf32, #tpu.memory_space<vmem>>, vector<128x10000xf32>
    %get3A_5 = arith.constant 0 : index
    %get3A_6 = arith.constant 0 : index
    %get3A_7 = vector.load %arg2[%get3A_5, %get3A_6] : memref<1x10000xf32, #tpu.memory_space<vmem>>, vector<1x10000xf32>
    %get3A_8 = arith.constant 0 : index
    %get3A_9 = arith.constant 0 : index
    %get3A_10 = vector.load %arg3[%get3A_8, %get3A_9] : memref<1x10000xf32, #tpu.memory_space<vmem>>, vector<1x10000xf32>
    %get3A_11 = arith.constant 0 : index
    %get3A_12 = arith.constant 0 : index
    %get3A_13 = vector.load %arg5[%get3A_11, %get3A_12] : memref<128x128xf32, #tpu.memory_space<vmem>>, vector<128x128xf32>
    %get3A_14 = arith.constant 0 : index
    %get3A_15 = arith.constant 0 : index
    %get3A_16 = vector.load %arg6[%get3A_14, %get3A_15] : memref<128x128xf32, #tpu.memory_space<vmem>>, vector<128x128xf32>
    %get3A_17 = arith.constant 0 : index
    %get3A_18 = arith.constant 0 : index
    %get3A_19 = vector.load %arg7[%get3A_17, %get3A_18] : memref<128x1xf32, #tpu.memory_space<vmem>>, vector<128x1xf32>
    %sub3A = arith.subf %get3A_7, %get3A_10 : vector<1x10000xf32>
    %mul3A = arith.constant 0.693147182 : f32
    %mul3A_20 = vector.broadcast %mul3A : f32 to vector<1x10000xf32>
    %mul3A_21 = arith.mulf %mul3A_20, %sub3A : vector<1x10000xf32>
    %add3A = vector.broadcast %mul3A_21 : vector<1x10000xf32> to vector<128x10000xf32>
    %add3A_22 = arith.addf %get3A_4, %add3A : vector<128x10000xf32>
    %dot_general3A = arith.constant dense<0.000000e+00> : vector<128x10000xf32>
    %dot_general3A_23 = tpu.matmul %get3A_13, %get3A_1, %dot_general3A {dimension_numbers = #tpu.dot_dimension_numbers<[0], [0], [1], [1], [0, 1, 1, 1], [], []>, precision = #tpu.contract_precision<fp32>, transpose_lhs_hint = false} : vector<128x128xf32>, vector<128x10000xf32>, vector<128x10000xf32> -> vector<128x10000xf32>
    %dot_general3A_24 = arith.constant dense<0.000000e+00> : vector<128x10000xf32>
    %dot_general3A_25 = tpu.matmul %get3A_16, %add3A_22, %dot_general3A_24 {dimension_numbers = #tpu.dot_dimension_numbers<[0], [0], [1], [1], [0, 1, 1, 1], [], []>, precision = #tpu.contract_precision<fp32>, transpose_lhs_hint = false} : vector<128x128xf32>, vector<128x10000xf32>, vector<128x10000xf32> -> vector<128x10000xf32>
    %add3A_26 = arith.addf %dot_general3A_23, %dot_general3A_25 : vector<128x10000xf32>
    %mul3A_27 = vector.broadcast %get3A_7 : vector<1x10000xf32> to vector<128x10000xf32>
    %mul3A_28 = vector.broadcast %get3A_19 : vector<128x1xf32> to vector<128x10000xf32>
    %mul3A_29 = arith.mulf %mul3A_27, %mul3A_28 : vector<128x10000xf32>
    %add3A_30 = arith.addf %add3A_26, %mul3A_29 : vector<128x10000xf32>
    %get3A_31 = arith.constant 0 : index
    %get3A_32 = arith.constant 0 : index
    %get3A_33 = vector.load %arg4[%get3A_31, %get3A_32] : memref<128x10000xf32, #tpu.memory_space<vmem>>, vector<128x10000xf32>
    %add3A_34 = arith.addf %add3A_30, %get3A_33 : vector<128x10000xf32>
    %max3A = arith.constant 0.000000e+00 : f32
    %max3A_35 = vector.broadcast %max3A : f32 to vector<128x10000xf32>
    %max3A_36 = arith.maximumf %add3A_34, %max3A_35 : vector<128x10000xf32>
    %abs3A = math.absf %add3A_34 : vector<128x10000xf32>
    %neg3A = arith.constant 0.000000e+00 : f32
    %neg3A_37 = vector.broadcast %neg3A : f32 to vector<128x10000xf32>
    %neg3A_38 = arith.subf %neg3A_37, %abs3A : vector<128x10000xf32>
    %exp3A = math.exp %neg3A_38 : vector<128x10000xf32>
    %add3A_39 = arith.constant 1.000000e+00 : f32
    %add3A_40 = vector.broadcast %add3A_39 : f32 to vector<128x10000xf32>
    %add3A_41 = arith.addf %add3A_40, %exp3A : vector<128x10000xf32>
    %log3A = math.log %add3A_41 : vector<128x10000xf32>
    %add3A_42 = arith.addf %max3A_36, %log3A : vector<128x10000xf32>
    %swap3A = arith.constant 0 : index
    %swap3A_43 = arith.constant 0 : index
    %swap3A_44 = vector.load %arg8[%swap3A, %swap3A_43] : memref<128x10000xf32, #tpu.memory_space<vmem>>, vector<128x10000xf32>
    tpu.vector_store %arg8[%swap3A, %swap3A_43], %add3A_42 {strides = array<i32>} : memref<128x10000xf32, #tpu.memory_space<vmem>>, vector<128x10000xf32>,
    return
  }
}

module attributes {stable_mosaic.version = 14 : i64} {
  func.func @_fill_body(%arg0: i32, %arg1: memref<10000x128xf32, #tpu.memory_space<vmem>>) attributes {dimension_semantics = [#tpu.dimension_semantics<arbitrary>], iteration_bounds = array<i64: 32>, scalar_prefetch = 0 : i64, scratch_operands = 0 : i64, tpu.core_type = #tpu.core_type<tc>, window_params = [{transform_indices = @transform_0, window_bounds = array<i64: 10000, 128>}]} {
    %broadcast_in_dim3A = arith.constant 0.693147182 : f32
    %broadcast_in_dim3A_0 = vector.broadcast %broadcast_in_dim3A : f32 to vector<10000x128xf32>
    %swap3A = arith.constant 0 : index
    %swap3A_1 = arith.constant 0 : index
    %swap3A_2 = vector.load %arg1[%swap3A, %swap3A_1] : memref<10000x128xf32, #tpu.memory_space<vmem>>, vector<10000x128xf32>
    tpu.vector_store %arg1[%swap3A, %swap3A_1], %broadcast_in_dim3A_0 {strides = array<i32>} : memref<10000x128xf32, #tpu.memory_space<vmem>>, vector<10000x128xf32>,
    return
  }
  func.func @transform_0(%arg0: i32) -> (i32, i32) {
    %c0_i32 = arith.constant 0 : i32
    %c0_i32_0 = arith.constant 0 : i32
    return %arg0, %c0_i32 : i32, i32
  }
}

module attributes {stable_mosaic.version = 14 : i64} {
  func.func @_tc3_body(%arg0: i32, %arg1: memref<128x10000xf32, #tpu.memory_space<vmem>>, %arg2: memref<128x10000xf32, #tpu.memory_space<vmem>>, %arg3: memref<1x10000xf32, #tpu.memory_space<vmem>>, %arg4: memref<128x1xf32, #tpu.memory_space<vmem>>, %arg5: memref<10000x128xf32, #tpu.memory_space<vmem>>, %arg6: memref<128x10000xf32, #tpu.memory_space<vmem>>, %arg7: memref<10000x128xf32, #tpu.memory_space<vmem>>) attributes {dimension_semantics = [#tpu.dimension_semantics<arbitrary>], iteration_bounds = array<i64: 1>, scalar_prefetch = 0 : i64, scratch_operands = 0 : i64, tpu.core_type = #tpu.core_type<tc>, window_params = [{pipeline_mode = #tpu.pipeline_mode<synchronous>, transform_indices = @transform_0, window_bounds = array<i64: 128, 10000>}, {pipeline_mode = #tpu.pipeline_mode<synchronous>, transform_indices = @transform_1, window_bounds = array<i64: 128, 10000>}, {pipeline_mode = #tpu.pipeline_mode<synchronous>, transform_indices = @transform_2, window_bounds = array<i64: 1, 10000>}, {pipeline_mode = #tpu.pipeline_mode<synchronous>, transform_indices = @transform_3, window_bounds = array<i64: 128, 1>}, {transform_indices = @transform_4, window_bounds = array<i64: 10000, 128>}, {pipeline_mode = #tpu.pipeline_mode<synchronous>, transform_indices = @transform_5, window_bounds = array<i64: 128, 10000>}, {transform_indices = @transform_6, window_bounds = array<i64: 10000, 128>}]} {
    %get3A = arith.constant 0 : index
    %get3A_0 = arith.constant 0 : index
    %get3A_1 = vector.load %arg3[%get3A, %get3A_0] : memref<1x10000xf32, #tpu.memory_space<vmem>>, vector<1x10000xf32>
    %gt3A = arith.constant 0.000000e+00 : f32
    %gt3A_2 = vector.broadcast %gt3A : f32 to vector<1x10000xf32>
    %gt3A_3 = arith.cmpf ogt, %get3A_1, %gt3A_2 : vector<1x10000xf32>
    %get3A_4 = arith.constant 0 : index
    %get3A_5 = arith.constant 0 : index
    %get3A_6 = vector.load %arg1[%get3A_4, %get3A_5] : memref<128x10000xf32, #tpu.memory_space<vmem>>, vector<128x10000xf32>
    %get3A_7 = arith.constant 0 : index
    %get3A_8 = arith.constant 0 : index
    %get3A_9 = vector.load %arg2[%get3A_7, %get3A_8] : memref<128x10000xf32, #tpu.memory_space<vmem>>, vector<128x10000xf32>
    %add3A = arith.addf %get3A_6, %get3A_9 : vector<128x10000xf32>
    %get3A_10 = arith.constant 0 : index
    %get3A_11 = arith.constant 0 : index
    %get3A_12 = vector.load %arg4[%get3A_10, %get3A_11] : memref<128x1xf32, #tpu.memory_space<vmem>>, vector<128x1xf32>
    %add3A_13 = vector.broadcast %get3A_12 : vector<128x1xf32> to vector<128x10000xf32>
    %add3A_14 = arith.addf %add3A, %add3A_13 : vector<128x10000xf32>
    %max3A = arith.constant 0.000000e+00 : f32
    %max3A_15 = vector.broadcast %max3A : f32 to vector<128x10000xf32>
    %max3A_16 = arith.maximumf %add3A_14, %max3A_15 : vector<128x10000xf32>
    %abs3A = math.absf %add3A_14 : vector<128x10000xf32>
    %neg3A = arith.constant 0.000000e+00 : f32
    %neg3A_17 = vector.broadcast %neg3A : f32 to vector<128x10000xf32>
    %neg3A_18 = arith.subf %neg3A_17, %abs3A : vector<128x10000xf32>
    %exp3A = math.exp %neg3A_18 : vector<128x10000xf32>
    %add3A_19 = arith.constant 1.000000e+00 : f32
    %add3A_20 = vector.broadcast %add3A_19 : f32 to vector<128x10000xf32>
    %add3A_21 = arith.addf %add3A_20, %exp3A : vector<128x10000xf32>
    %log3A = math.log %add3A_21 : vector<128x10000xf32>
    %add3A_22 = arith.addf %max3A_16, %log3A : vector<128x10000xf32>
    %jit3A = arith.constant 0.693147182 : f32
    %broadcast_in_dim3A = vector.shape_cast %gt3A_3 : vector<1x10000xi1> to vector<1x10000xi1>
    %broadcast_in_dim3A_23 = vector.broadcast %broadcast_in_dim3A : vector<1x10000xi1> to vector<128x10000xi1>
    %broadcast_in_dim3A_24 = vector.broadcast %jit3A : f32 to vector<128x10000xf32>
    %select_n3A = arith.select %broadcast_in_dim3A_23, %add3A_22, %broadcast_in_dim3A_24 : vector<128x10000xi1>, vector<128x10000xf32>
    %swap3A = arith.constant 0 : index
    %swap3A_25 = arith.constant 0 : index
    %swap3A_26 = vector.load %arg6[%swap3A, %swap3A_25] : memref<128x10000xf32, #tpu.memory_space<vmem>>, vector<128x10000xf32>
    tpu.vector_store %arg6[%swap3A, %swap3A_25], %select_n3A {strides = array<i32>} : memref<128x10000xf32, #tpu.memory_space<vmem>>, vector<128x10000xf32>,
    %transpose3A = tpu.transpose %select_n3A, [1, 0] : vector<128x10000xf32> -> vector<10000x128xf32>
    %swap3A_27 = arith.constant 0 : index
    %swap3A_28 = arith.constant 0 : index
    %swap3A_29 = vector.load %arg7[%swap3A_27, %swap3A_28] : memref<10000x128xf32, #tpu.memory_space<vmem>>, vector<10000x128xf32>
    tpu.vector_store %arg7[%swap3A_27, %swap3A_28], %transpose3A {strides = array<i32>} : memref<10000x128xf32, #tpu.memory_space<vmem>>, vector<10000x128xf32>,
    return
  }
  func.func @transform_0(%arg0: i32) -> (i32, i32) {
    %c0_i32 = arith.constant 0 : i32
    %c0_i32_0 = arith.constant 0 : i32
    %c0_i32_1 = arith.constant 0 : i32
    return %c0_i32, %c0_i32_0 : i32, i32
  }
  func.func @transform_1(%arg0: i32) -> (i32, i32) {
    %c0_i32 = arith.constant 0 : i32
    %c0_i32_0 = arith.constant 0 : i32
    %c0_i32_1 = arith.constant 0 : i32
    return %c0_i32, %c0_i32_0 : i32, i32
  }
  func.func @transform_2(%arg0: i32) -> (i32, i32) {
    %c0_i32 = arith.constant 0 : i32
    %c0_i32_0 = arith.constant 0 : i32
    %c0_i32_1 = arith.constant 0 : i32
    return %c0_i32, %c0_i32_0 : i32, i32
  }
  func.func @transform_3(%arg0: i32) -> (i32, i32) {
    %c0_i32 = arith.constant 0 : i32
    %c0_i32_0 = arith.constant 0 : i32
    %c0_i32_1 = arith.constant 0 : i32
    return %c0_i32, %c0_i32_0 : i32, i32
  }
  func.func @transform_4(%arg0: i32) -> (i32, i32) {
    %c0_i32 = arith.constant 0 : i32
    %c0_i32_0 = arith.constant 0 : i32
    %c0_i32_1 = arith.constant 0 : i32
    return %c0_i32, %c0_i32_0 : i32, i32
  }
  func.func @transform_5(%arg0: i32) -> (i32, i32) {
    %c0_i32 = arith.constant 0 : i32
    %c0_i32_0 = arith.constant 0 : i32
    %c0_i32_1 = arith.constant 0 : i32
    return %c0_i32, %c0_i32_0 : i32, i32
  }
  func.func @transform_6(%arg0: i32) -> (i32, i32) {
    %c0_i32 = arith.constant 0 : i32
    %c0_i32_0 = arith.constant 0 : i32
    %c0_i32_1 = arith.constant 0 : i32
    return %c0_i32, %c0_i32_0 : i32, i32
  }
}

module attributes {stable_mosaic.version = 14 : i64} {
  func.func @_tc4_body(%arg0: memref<128x10000xf32, #tpu.memory_space<vmem>>, %arg1: memref<128x10000xf32, #tpu.memory_space<vmem>>, %arg2: memref<1x10000xf32, #tpu.memory_space<vmem>>, %arg3: memref<1x10000xf32, #tpu.memory_space<vmem>>, %arg4: memref<128x10000xf32, #tpu.memory_space<vmem>>, %arg5: memref<128x128xf32, #tpu.memory_space<vmem>>, %arg6: memref<128x128xf32, #tpu.memory_space<vmem>>, %arg7: memref<128x1xf32, #tpu.memory_space<vmem>>, %arg8: memref<1x10000xi32, #tpu.memory_space<vmem>>, %arg9: memref<128x64xf32, #tpu.memory_space<vmem>>, %arg10: memref<64x1xf32, #tpu.memory_space<vmem>>, %arg11: memref<64x64xf32, #tpu.memory_space<vmem>>, %arg12: memref<64x1xf32, #tpu.memory_space<vmem>>, %arg13: memref<64x1xf32, #tpu.memory_space<vmem>>, %arg14: memref<1x1xf32, #tpu.memory_space<vmem>>, %arg15: memref<1x256xf32, #tpu.memory_space<vmem>>, %arg16: memref<10000x128xf32, #tpu.memory_space<vmem>>) attributes {dimension_semantics = [], scalar_prefetch = 0 : i64, scratch_operands = 0 : i64, tpu.core_type = #tpu.core_type<tc>} {
    %get3A = arith.constant 0 : index
    %get3A_0 = arith.constant 0 : index
    %get3A_1 = vector.load %arg0[%get3A, %get3A_0] : memref<128x10000xf32, #tpu.memory_space<vmem>>, vector<128x10000xf32>
    %get3A_2 = arith.constant 0 : index
    %get3A_3 = arith.constant 0 : index
    %get3A_4 = vector.load %arg1[%get3A_2, %get3A_3] : memref<128x10000xf32, #tpu.memory_space<vmem>>, vector<128x10000xf32>
    %get3A_5 = arith.constant 0 : index
    %get3A_6 = arith.constant 0 : index
    %get3A_7 = vector.load %arg2[%get3A_5, %get3A_6] : memref<1x10000xf32, #tpu.memory_space<vmem>>, vector<1x10000xf32>
    %get3A_8 = arith.constant 0 : index
    %get3A_9 = arith.constant 0 : index
    %get3A_10 = vector.load %arg3[%get3A_8, %get3A_9] : memref<1x10000xf32, #tpu.memory_space<vmem>>, vector<1x10000xf32>
    %get3A_11 = arith.constant 0 : index
    %get3A_12 = arith.constant 0 : index
    %get3A_13 = vector.load %arg5[%get3A_11, %get3A_12] : memref<128x128xf32, #tpu.memory_space<vmem>>, vector<128x128xf32>
    %get3A_14 = arith.constant 0 : index
    %get3A_15 = arith.constant 0 : index
    %get3A_16 = vector.load %arg6[%get3A_14, %get3A_15] : memref<128x128xf32, #tpu.memory_space<vmem>>, vector<128x128xf32>
    %get3A_17 = arith.constant 0 : index
    %get3A_18 = arith.constant 0 : index
    %get3A_19 = vector.load %arg7[%get3A_17, %get3A_18] : memref<128x1xf32, #tpu.memory_space<vmem>>, vector<128x1xf32>
    %sub3A = arith.subf %get3A_7, %get3A_10 : vector<1x10000xf32>
    %mul3A = arith.constant 0.693147182 : f32
    %mul3A_20 = vector.broadcast %mul3A : f32 to vector<1x10000xf32>
    %mul3A_21 = arith.mulf %mul3A_20, %sub3A : vector<1x10000xf32>
    %add3A = vector.broadcast %mul3A_21 : vector<1x10000xf32> to vector<128x10000xf32>
    %add3A_22 = arith.addf %get3A_4, %add3A : vector<128x10000xf32>
    %dot_general3A = arith.constant dense<0.000000e+00> : vector<128x10000xf32>
    %dot_general3A_23 = tpu.matmul %get3A_13, %get3A_1, %dot_general3A {dimension_numbers = #tpu.dot_dimension_numbers<[0], [0], [1], [1], [0, 1, 1, 1], [], []>, precision = #tpu.contract_precision<fp32>, transpose_lhs_hint = false} : vector<128x128xf32>, vector<128x10000xf32>, vector<128x10000xf32> -> vector<128x10000xf32>
    %dot_general3A_24 = arith.constant dense<0.000000e+00> : vector<128x10000xf32>
    %dot_general3A_25 = tpu.matmul %get3A_16, %add3A_22, %dot_general3A_24 {dimension_numbers = #tpu.dot_dimension_numbers<[0], [0], [1], [1], [0, 1, 1, 1], [], []>, precision = #tpu.contract_precision<fp32>, transpose_lhs_hint = false} : vector<128x128xf32>, vector<128x10000xf32>, vector<128x10000xf32> -> vector<128x10000xf32>
    %add3A_26 = arith.addf %dot_general3A_23, %dot_general3A_25 : vector<128x10000xf32>
    %mul3A_27 = vector.broadcast %get3A_7 : vector<1x10000xf32> to vector<128x10000xf32>
    %mul3A_28 = vector.broadcast %get3A_19 : vector<128x1xf32> to vector<128x10000xf32>
    %mul3A_29 = arith.mulf %mul3A_27, %mul3A_28 : vector<128x10000xf32>
    %add3A_30 = arith.addf %add3A_26, %mul3A_29 : vector<128x10000xf32>
    %get3A_31 = arith.constant 0 : index
    %get3A_32 = arith.constant 0 : index
    %get3A_33 = vector.load %arg4[%get3A_31, %get3A_32] : memref<128x10000xf32, #tpu.memory_space<vmem>>, vector<128x10000xf32>
    %add3A_34 = arith.addf %add3A_30, %get3A_33 : vector<128x10000xf32>
    %max3A = arith.constant 0.000000e+00 : f32
    %max3A_35 = vector.broadcast %max3A : f32 to vector<128x10000xf32>
    %max3A_36 = arith.maximumf %add3A_34, %max3A_35 : vector<128x10000xf32>
    %abs3A = math.absf %add3A_34 : vector<128x10000xf32>
    %neg3A = arith.constant 0.000000e+00 : f32
    %neg3A_37 = vector.broadcast %neg3A : f32 to vector<128x10000xf32>
    %neg3A_38 = arith.subf %neg3A_37, %abs3A : vector<128x10000xf32>
    %exp3A = math.exp %neg3A_38 : vector<128x10000xf32>
    %add3A_39 = arith.constant 1.000000e+00 : f32
    %add3A_40 = vector.broadcast %add3A_39 : f32 to vector<128x10000xf32>
    %add3A_41 = arith.addf %add3A_40, %exp3A : vector<128x10000xf32>
    %log3A = math.log %add3A_41 : vector<128x10000xf32>
    %add3A_42 = arith.addf %max3A_36, %log3A : vector<128x10000xf32>
    %transpose3A = tpu.transpose %add3A_42, [1, 0] : vector<128x10000xf32> -> vector<10000x128xf32>
    %swap3A = arith.constant 0 : index
    %swap3A_43 = arith.constant 0 : index
    %swap3A_44 = vector.load %arg16[%swap3A, %swap3A_43] : memref<10000x128xf32, #tpu.memory_space<vmem>>, vector<10000x128xf32>
    tpu.vector_store %arg16[%swap3A, %swap3A_43], %transpose3A {strides = array<i32>} : memref<10000x128xf32, #tpu.memory_space<vmem>>, vector<10000x128xf32>,
    %iota3A = tpu.iota {dimensions = array<i32: 0>} : vector<256x10000xi32>
    %get3A_45 = arith.constant 0 : index
    %get3A_46 = arith.constant 0 : index
    %get3A_47 = vector.load %arg8[%get3A_45, %get3A_46] : memref<1x10000xi32, #tpu.memory_space<vmem>>, vector<1x10000xi32>
    %eq3A = vector.broadcast %get3A_47 : vector<1x10000xi32> to vector<256x10000xi32>
    %eq3A_48 = arith.cmpi eq, %iota3A, %eq3A : vector<256x10000xi32>
    %convert_element_type3A = arith.extui %eq3A_48 : vector<256x10000xi1> to vector<256x10000xi32>
    %convert_element_type3A_49 = arith.sitofp %convert_element_type3A : vector<256x10000xi32> to vector<256x10000xf32>
    %dot_general3A_50 = arith.constant dense<0.000000e+00> : vector<128x256xf32>
    %dot_general3A_51 = tpu.matmul %add3A_42, %convert_element_type3A_49, %dot_general3A_50 {dimension_numbers = #tpu.dot_dimension_numbers<[1], [1], [0], [0], [0, 0, 1, 0], [], []>, precision = #tpu.contract_precision<fp32>, transpose_lhs_hint = false} : vector<128x10000xf32>, vector<256x10000xf32>, vector<128x256xf32> -> vector<128x256xf32>
    %get3A_52 = arith.constant 0 : index
    %get3A_53 = arith.constant 0 : index
    %get3A_54 = vector.load %arg9[%get3A_52, %get3A_53] : memref<128x64xf32, #tpu.memory_space<vmem>>, vector<128x64xf32>
    %dot_general3A_55 = arith.constant dense<0.000000e+00> : vector<64x256xf32>
    %dot_general3A_56 = tpu.matmul %get3A_54, %dot_general3A_51, %dot_general3A_55 {dimension_numbers = #tpu.dot_dimension_numbers<[0], [0], [1], [1], [0, 1, 1, 1], [], []>, precision = #tpu.contract_precision<fp32>, transpose_lhs_hint = false} : vector<128x64xf32>, vector<128x256xf32>, vector<64x256xf32> -> vector<64x256xf32>
    %get3A_57 = arith.constant 0 : index
    %get3A_58 = arith.constant 0 : index
    %get3A_59 = vector.load %arg10[%get3A_57, %get3A_58] : memref<64x1xf32, #tpu.memory_space<vmem>>, vector<64x1xf32>
    %add3A_60 = vector.broadcast %get3A_59 : vector<64x1xf32> to vector<64x256xf32>
    %add3A_61 = arith.addf %dot_general3A_56, %add3A_60 : vector<64x256xf32>
    %max3A_62 = arith.constant 0.000000e+00 : f32
    %max3A_63 = vector.broadcast %max3A_62 : f32 to vector<64x256xf32>
    %max3A_64 = arith.maximumf %add3A_61, %max3A_63 : vector<64x256xf32>
    %abs3A_65 = math.absf %add3A_61 : vector<64x256xf32>
    %neg3A_66 = arith.constant 0.000000e+00 : f32
    %neg3A_67 = vector.broadcast %neg3A_66 : f32 to vector<64x256xf32>
    %neg3A_68 = arith.subf %neg3A_67, %abs3A_65 : vector<64x256xf32>
    %exp3A_69 = math.exp %neg3A_68 : vector<64x256xf32>
    %add3A_70 = arith.constant 1.000000e+00 : f32
    %add3A_71 = vector.broadcast %add3A_70 : f32 to vector<64x256xf32>
    %add3A_72 = arith.addf %add3A_71, %exp3A_69 : vector<64x256xf32>
    %log3A_73 = math.log %add3A_72 : vector<64x256xf32>
    %add3A_74 = arith.addf %max3A_64, %log3A_73 : vector<64x256xf32>
    %get3A_75 = arith.constant 0 : index
    %get3A_76 = arith.constant 0 : index
    %get3A_77 = vector.load %arg11[%get3A_75, %get3A_76] : memref<64x64xf32, #tpu.memory_space<vmem>>, vector<64x64xf32>
    %dot_general3A_78 = arith.constant dense<0.000000e+00> : vector<64x256xf32>
    %dot_general3A_79 = tpu.matmul %get3A_77, %add3A_74, %dot_general3A_78 {dimension_numbers = #tpu.dot_dimension_numbers<[0], [0], [1], [1], [0, 1, 1, 1], [], []>, precision = #tpu.contract_precision<fp32>, transpose_lhs_hint = false} : vector<64x64xf32>, vector<64x256xf32>, vector<64x256xf32> -> vector<64x256xf32>
    %get3A_80 = arith.constant 0 : index
    %get3A_81 = arith.constant 0 : index
    %get3A_82 = vector.load %arg12[%get3A_80, %get3A_81] : memref<64x1xf32, #tpu.memory_space<vmem>>, vector<64x1xf32>
    %add3A_83 = vector.broadcast %get3A_82 : vector<64x1xf32> to vector<64x256xf32>
    %add3A_84 = arith.addf %dot_general3A_79, %add3A_83 : vector<64x256xf32>
    %max3A_85 = arith.constant 0.000000e+00 : f32
    %max3A_86 = vector.broadcast %max3A_85 : f32 to vector<64x256xf32>
    %max3A_87 = arith.maximumf %add3A_84, %max3A_86 : vector<64x256xf32>
    %abs3A_88 = math.absf %add3A_84 : vector<64x256xf32>
    %neg3A_89 = arith.constant 0.000000e+00 : f32
    %neg3A_90 = vector.broadcast %neg3A_89 : f32 to vector<64x256xf32>
    %neg3A_91 = arith.subf %neg3A_90, %abs3A_88 : vector<64x256xf32>
    %exp3A_92 = math.exp %neg3A_91 : vector<64x256xf32>
    %add3A_93 = arith.constant 1.000000e+00 : f32
    %add3A_94 = vector.broadcast %add3A_93 : f32 to vector<64x256xf32>
    %add3A_95 = arith.addf %add3A_94, %exp3A_92 : vector<64x256xf32>
    %log3A_96 = math.log %add3A_95 : vector<64x256xf32>
    %add3A_97 = arith.addf %max3A_87, %log3A_96 : vector<64x256xf32>
    %get3A_98 = arith.constant 0 : index
    %get3A_99 = arith.constant 0 : index
    %get3A_100 = vector.load %arg13[%get3A_98, %get3A_99] : memref<64x1xf32, #tpu.memory_space<vmem>>, vector<64x1xf32>
    %dot_general3A_101 = arith.constant dense<0.000000e+00> : vector<1x256xf32>
    %dot_general3A_102 = tpu.matmul %get3A_100, %add3A_97, %dot_general3A_101 {dimension_numbers = #tpu.dot_dimension_numbers<[0], [0], [1], [1], [0, 1, 1, 1], [], []>, precision = #tpu.contract_precision<fp32>, transpose_lhs_hint = false} : vector<64x1xf32>, vector<64x256xf32>, vector<1x256xf32> -> vector<1x256xf32>
    %get3A_103 = arith.constant 0 : index
    %get3A_104 = arith.constant 0 : index
    %get3A_105 = vector.load %arg14[%get3A_103, %get3A_104] : memref<1x1xf32, #tpu.memory_space<vmem>>, vector<1x1xf32>
    %add3A_106 = vector.broadcast %get3A_105 : vector<1x1xf32> to vector<1x256xf32>
    %add3A_107 = arith.addf %dot_general3A_102, %add3A_106 : vector<1x256xf32>
    %swap3A_108 = arith.constant 0 : index
    %swap3A_109 = arith.constant 0 : index
    %swap3A_110 = vector.load %arg15[%swap3A_108, %swap3A_109] : memref<1x256xf32, #tpu.memory_space<vmem>>, vector<1x256xf32>
    tpu.vector_store %arg15[%swap3A_108, %swap3A_109], %add3A_107 {strides = array<i32>} : memref<1x256xf32, #tpu.memory_space<vmem>>, vector<1x256xf32>,
    return
  }
}

</mosaic_0001>

<sc_bundles>
// kernel: kernel.12.cloned.1.call-start
scs
__scs_entry_jumppad:
0x0: {  	(pc) =	sbr.rel $0x88, $3  }
0x1: {  	(tag) =	ssettag $0x0;
	lr =	simm.s32 $0x1  }
0x2: {  	[smem:$0x3F8F] =	sst lr;
	_ =	strace $0xD0000000  }
0x3: {  	_ = 	snop  }
0x4: {  	_ = 	snop  }
0x5: {  	_ = 	snop  }
0x6: {  	_ = 	snop  }
0x7: {  	_ = 	snop  }
__scs_overlays_trampoline_lowered:
0x8: {  	[smem:$0x3F9E] =	sst s0  }
0x9: {  	[smem:$0x3F9F] =	sst s1  }
0xa: {  	[smem:$0x3FA0] =	sst s2  }
0xb: {  	[smem:$0x3FA1] =	sst s3  }
0xc: {  	[smem:$0x3FA2] =	sst s4  }
0xd: {  	[smem:$0x3FA3] =	sst s5  }
0xe: {  	[smem:$0x3FA4] =	sst s6  }
0xf: {  	[smem:$0x3FA5] =	sst s7  }
0x10: {  	[smem:$0x3FA6] =	sst s8  }
0x11: {  	[smem:$0x3FA7] =	sst s9;
	s0 =	simm.s32 @!p0 $0x0  }
0x12: {  	s1 =	sld [smem:$0x3F8D];
	s0 =	simm.s32 @p0 $0x1  }
0x13: {  	[smem:$0x3FA8] =	sst s0;
	s0 =	simm.s32 @!p1 $0x0  }
0x14: {  	s2 =	sld [smem:$0x3F8C];
	s0 =	simm.s32 @p1 $0x1  }
0x15: {  	[smem:$0x3FA9] =	sst s0;
	s0 =	simm.s32 @!p2 $0x0  }
0x16: {  	s3 =	sld [smem:$0x3FDB];
	s0 =	simm.s32 @p2 $0x1  }
0x17: {  	s4 =	simm.s32 $0x1BF5;
	[smem:$0x3FAB] =	sst s0  }
0x18: {  	s0 =	sld [smem:$0x3F8E];
	_ =	swait.ge [sflag:s4], $0x0  }
0x19: {  	s7 =	sld [smem:$0x3F8F]  }
0x1a: {  	s8 =	sadd.s32 $0xFFFFE003, lr  }
0x1b: {  	s9 =	sadd.s32 $0xFFFFFEF7, lr;
	s5 =	simm.s32 $0xFFFFFFFF;
	p2 =	slt.u32 s8, $0xFFFFF086  }
0x1c: {  	p1 =	slt.u32 s9, $0xF7A;
	s5 =	simm.s32 @!p2 $0x0  }
0x1d: {  	s5 =	simm.s32 @p1 $0x1;
	p0 =	seq.s32 s7, s2  }
0x1e: {  	s7 =	smul.u32 @!p0 $0xF7A, s2;
	p2 =	seq.s32 @!p0 s5, $0x0  }
0x1f: {  	s9 =	smul.u32 $0xF7A, s1;
	s8 =	simm.s32 @!p0 $0x1BF5;
	p2 =	por !p2, p0  }
0x20: {  	[sflag:s8] =	ssyncset.s32 @!p0 $0xFFFFF086;
	s6 =	sadd.s32 @!p0 s3, s7;
	s7 =	simm.s32 @!p0 $0x108  }
0x21: {  	s3 =	sadd.s32 s3, s9;
	s6 =	sadd.s32 @!p0 $0x88, s6;
	s7 =	simm.s32 @p2 $0x1082  }
0x22: {  	[simem:s7], [sflag:s8] =	dma.local @!p0 [hbm:s6], $0xF7A  }
0x23: {  	s9 =	sor.u32 $0xD0000000, s2;
	s6 =	simm.s32 $0x108;
	_ =	swait.ge @!p0 [sflag:s8], $0x0  }
0x24: {  	s3 =	sadd.s32 $0x88, s3;
	s6 =	simm.s32 @!p1 $0x1082;
	[sflag:s4] =	ssyncset.s32 $0xFFFFF086  }
0x25: {  	[simem:s6], [sflag:s4] =	dma.local [hbm:s3], $0xF7A  }
0x26: {  	[smem:$0x3F8F] =	sst s1;
	(tag) =	ssettag s2;
	_ =	strace s9  }
0x27: {  	s1 =	sld [smem:$0x3F9F]  }
0x28: {  	s2 =	sld [smem:$0x3FA0]  }
0x29: {  	s4 =	sld [smem:$0x3FA2]  }
0x2a: {  	p0 =	seq.s32 s5, $0x0;
	s5 =	sld [smem:$0x3FA3]  }
0x2b: {  	s6 =	sld [smem:$0x3FA4]  }
0x2c: {  	s7 =	sld [smem:$0x3FA5]  }
0x2d: {  	s3 =	simm.s32 $0x108;
	s8 =	sld [smem:$0x3FA6]  }
0x2e: {  	s3 =	simm.s32 @!p0 $0x1082;
	s9 =	sld [smem:$0x3FA7]  }
0x2f: {  	lr =	sadd.s32 s0, s3;
	s0 =	sld [smem:$0x3F9E]  }
0x30: {  	s3 =	sld [smem:$0x3FA1]  }
0x31: {  	[smem:$0x3FAA] =	sst s10  }
0x32: {  	s10 =	sld [smem:$0x3FA8];
	_ =	sdelay $0x3  }
0x33: {  	p0 =	seq.s32 s10, $0x1;
	s10 =	sld [smem:$0x3FAA];
	_ =	sdelay $0x3  }
0x34: {  	[smem:$0x3FAA] =	sst s10  }
0x35: {  	s10 =	sld [smem:$0x3FA9];
	_ =	sdelay $0x3  }
0x36: {  	p1 =	seq.s32 s10, $0x1;
	s10 =	sld [smem:$0x3FAA];
	_ =	sdelay $0x3  }
0x37: {  	[smem:$0x3FAA] =	sst s10  }
0x38: {  	s10 =	sld [smem:$0x3FAB]  }
0x39: {  	_ = 	snop;
	(pc) =	sbr.ind lr, $3  }
0x3a: {  	_ = 	snop  }
0x3b: {  	_ = 	snop  }
0x3c: {  	p2 =	seq.s32 s10, $0x1;
	s10 =	sld [smem:$0x3FAA]  }
0x3d: {  	_ =	shalt  }
0x3e: {  	_ =	shalt  }
0x3f: {  	_ =	shalt  }
0x40: {  	_ =	shalt  }
0x41: {  	_ =	shalt  }
0x42: {  	_ =	shalt  }
0x43: {  	_ =	shalt  }
0x44: {  	_ =	shalt  }
0x45: {  	_ =	shalt  }
0x46: {  	_ =	shalt  }
0x47: {  	_ =	shalt  }
0x48: {  	_ =	shalt  }
0x49: {  	_ =	shalt  }
0x4a: {  	_ =	shalt  }
0x4b: {  	_ =	shalt  }
0x4c: {  	_ =	shalt  }
0x4d: {  	_ =	shalt  }
0x4e: {  	_ =	shalt  }
0x4f: {  	_ =	shalt  }
0x50: {  	_ =	shalt  }
0x51: {  	_ =	shalt  }
0x52: {  	_ =	shalt  }
0x53: {  	_ =	shalt  }
0x54: {  	_ =	shalt  }
0x55: {  	_ =	shalt  }
0x56: {  	_ =	shalt  }
0x57: {  	_ =	shalt  }
0x58: {  	_ =	shalt  }
0x59: {  	_ =	shalt  }
0x5a: {  	_ =	shalt  }
0x5b: {  	_ =	shalt  }
0x5c: {  	_ =	shalt  }
0x5d: {  	_ =	shalt  }
0x5e: {  	_ =	shalt  }
0x5f: {  	_ =	shalt  }
0x60: {  	_ =	shalt  }
0x61: {  	_ =	shalt  }
0x62: {  	_ =	shalt  }
0x63: {  	_ =	shalt  }
0x64: {  	_ =	shalt  }
0x65: {  	_ =	shalt  }
0x66: {  	_ =	shalt  }
0x67: {  	_ =	shalt  }
0x68: {  	_ =	shalt  }
0x69: {  	_ =	shalt  }
0x6a: {  	_ =	shalt  }
0x6b: {  	_ =	shalt  }
0x6c: {  	_ =	shalt  }
0x6d: {  	_ =	shalt  }
0x6e: {  	_ =	shalt  }
0x6f: {  	_ =	shalt  }
0x70: {  	_ =	shalt  }
0x71: {  	_ =	shalt  }
0x72: {  	_ =	shalt  }
0x73: {  	_ =	shalt  }
0x74: {  	_ =	shalt  }
0x75: {  	_ =	shalt  }
0x76: {  	_ =	shalt  }
0x77: {  	_ =	shalt  }
0x78: {  	_ =	shalt  }
0x79: {  	_ =	shalt  }
0x7a: {  	_ =	shalt  }
0x7b: {  	_ =	shalt  }
0x7c: {  	_ =	shalt  }
0x7d: {  	_ =	shalt  }
0x7e: {  	_ =	shalt  }
0x7f: {  	_ =	shalt  }
0x80: {  	_ =	shalt  }
0x81: {  	_ =	shalt  }
0x82: {  	_ =	shalt  }
0x83: {  	_ =	shalt  }
0x84: {  	_ =	shalt  }
0x85: {  	_ =	shalt  }
0x86: {  	_ =	shalt  }
0x87: {  	_ =	shalt  }
.Lfunc_end0:
.L_simem_size_0:
called_computation_lowered:
.L_overlay_start_0:
0x88: {  	s2 =	sld [smem:$0x3FD9]  }
0x89: {  	s3 =	sld [smem:$0x3FFE];
	_ =	sdelay $0x1  }
0x8a: {  	s1 =	srdreg.scid  }
0x8b: {  	s0 =	sand.u32 $0x1, s1  }
0x8c: {  	s14 =	sshll.u32 s0, $0xA;
	s2 =	sadd.s32 s3, s2  }
0x8d: {  	s2 =	sadd.s32 s2, s14  }
0x8e: {  	[smem:$0x3FB6] =	sst s2  }
0x8f: {  	_ = 	snop  }
0x90: {  	s2 =	sld [smem:$0x3FD0];
	_ =	sdelay $0x2  }
0x91: {  	s15 =	simm.s32 $0xA;
	s4 =	simm.s32 $0x10  }
0x92: {  	[smem:s4], [sflag:s15] =	dma.local [hbm:s2], $0x1  }
0x93: {  	_ =	swait.eq [sflag:s15], $0x1  }
0x94: {  	[sflag:s15] =	ssyncset.done $0x0  }
0x95: {  	s16 =	sld [smem:$0x11];
	[sflag:s15] =	ssyncadd.s32 $0xFFFFFFFF  }
0x96: {  	s17 =	sld [smem:$0x12];
	(tm) =	ssettm $0x1  }
0x97: {  	s18 =	sld [smem:$0x3FFB];
	_ =	sdelay $0x3  }
0x98: {  	_ =	strace s18  }
0x99: {  	s4 =	sld [smem:$0x3FFC];
	_ =	sdelay $0x3  }
0x9a: {  	_ =	strace s4  }
0x9b: {  	s4 =	sld [smem:$0x3FFD];
	_ =	sdelay $0x3  }
0x9c: {  	_ =	strace s4  }
0x9d: {  	_ =	strace $0x8FFFFFFF  }
0x9e: {  	s19 =	sld [smem:$0x3FDB];
	_ =	sdelay $0x1  }
0x9f: {  	s5 =	simm.s32 $_scs_section_size  }
0xa0: {  	s6 =	simm.s32 $_size__tile_overlayer_lowered;
	s7 =	simm.s32 $_tile_overlayer_lowered  }
0xa1: {  	s22 =	simm.s32 $0x1BFF;
	s21 =	sshll.u32 s7, $0x1;
	s4 =	sadd.s32 s5, s19  }
0xa2: {  	s8 =	simm.s32 $0x0;
	s20 =	sshll.u32 s6, $0x1;
	s6 =	sadd.s32 s21, s4  }
0xa3: {  	[timem:s8], [sflag:s22] =	dma.local [hbm:s6], s20  }
0xa4: {  	_ =	swait.ge [sflag:s22], s20  }
0xa5: {  	s5 =	ssub.s32 $0x0, s20;
	[sflag:s22] =	ssyncset.done $0x0  }
0xa6: {  	[sflag:s22] =	ssyncadd.s32 s5;
	_ =	sdelay $0x1  }
0xa7: {  	s23 =	simm.s32 $0x1B8B  }
0xa8: {  	_ =	swait.ge [sflag:s23], $0x1  }
0xa9: {  	[sflag:s23] =	ssyncset.done $0x0  }
0xaa: {  	s25 =	simm.s32 $0x1B8E;
	s24 =	sld [smem:$0x3FFE];
	[sflag:s23] =	ssyncadd.s32 $0xFFFFFFFF  }
0xab: {  	s26 =	simm.s32 $execute0_lowered;
	[smem:$0x3FD2] =	sst s25  }
0xac: {  	s6 =	sshll.u32 s26, $0x1;
	_ =	strace $0x80000046;
	[dreg:$0x1] =	wrdreg $0xFFFFFFFF  }
0xad: {  	s28 =	simm.s32 $_size_execute0_lowered;
	s4 =	sadd.s32 s4, s6;
	[dreg:$0x0] =	wrdreg $0x0  }
0xae: {  	s6 =	sshll.u32 s28, $0x1;
	[dreg:$0x2] =	wrdreg s4  }
0xaf: {  	[dreg:$0x3] =	wrdreg s6  }
0xb0: {  	[dreg:$0x4] =	wrdreg $0xC0  }
0xb1: {  	_ =	task [dreg:s8], $0x5FFFF  }
0xb2: {  	[dreg:$0x1] =	wrdreg $0xFFFFFFFF  }
0xb3: {  	[dreg:$0x0] =	wrdreg $0x60  }
0xb4: {  	[dreg:$0x2] =	wrdreg s24  }
0xb5: {  	[dreg:$0x3] =	wrdreg s16  }
0xb6: {  	[dreg:$0x4] =	wrdreg s17  }
0xb7: {  	[dreg:$0x5] =	wrdreg $0x9  }
0xb8: {  	_ =	task.clear_ibuf [dreg:s8], $0x6FFFF;
	_ =	strace $0x90000046  }
0xb9: {  	s29 =	simm.s32 $0x9;
	_ =	strace $0x80000048  }
0xba: {  	_ =	swait.ge [sflag:s29], $0x1  }
0xbb: {  	[sflag:s29] =	ssyncadd.s32 $0xFFFFFFFF  }
0xbc: {  	_ =	strace $0x90000048  }
0xbd: {  	_ =	sfence  }
0xbe: {  	s30 =	sld [smem:$0x0];
	_ =	sdelay $0x2  }
0xbf: {  	s31 =	sshll.u32 s1, $0xD;
	s1 =	sshrl.u32 s1, $0x2  }
0xc0: {  	s3 =	sand.u32 $0x4000, s31;
	s1 =	sadd.s32 s1, s30  }
0xc1: {  	s0 =	sor.u32 s3, s0;
	s1 =	sshll.u32 s1, $0x11  }
0xc2: {  	s0 =	sor.u32 s1, s0  }
0xc3: {  	s0 =	sadd.s32 $0x8F2B, s0  }
0xc4: {  	[sflag:s0] =	ssyncadd.remote.s32 $0x1  }
0xc5: {  	_ =	sfence.sel $0xFFFF  }
0xc6: {  	[dreg:$0x0] =	wrdreg $0xFFFFFFFF;
	(pc) =	sbr.abs _section_cstart, $3  }
0xc7: {  	[dreg:$0x1] =	wrdreg $0xFFFFFFFF  }
0xc8: {  	_ =	task.clear_ibuf [dreg:s8], $0x2FFFF;
	_ =	strace $0x9FFFFFFF  }
0xc9: {  	(tm) =	ssettm $0x7FFFFFFF  }
tec
execute0_lowered:
.L_overlay_start_1:
0x0: {  	(tag) =	ssettag $0x1  }
0x1: {  	s4 =	rddreg [dreg:$0x0]  }
0x2: {  	s5 =	rddreg [dreg:$0x1];
	s1 =	srdreg.scid  }
0x3: {  	s0 =	stileid.u32;
	s7 =	rddreg [dreg:$0x2]  }
0x4: {  	s2 =	simm.s32 $0x0;
	s11 =	simm.s32 $0x13900;
	s12 =	simm.s32 $0x9C80  }
0x5: {  	s3 =	sand.u32 $0x1, s1;
	s6 =	sshll.u32 s0, $0x1;
	[smem:$0x7FF] =	sst s2  }
0x6: {  	s1 =	rddreg [dreg:$0x3];
	s13 =	sor.u32 s3, s6;
	_ =	strace $0x80000047  }
0x7: {  	s31 =	ssub.s32 $0x2, s3;
	s3 =	sadd.s32 $0x5A00, s4;
	s8 =	smul.u32 $0x1388, s13  }
0x8: {  	s10 =	sshrl.u32 s31, $0x1;
	p0 =	sne.s32 s13, $0x0;
	s13 =	simm.s32 $0x0  }
0x9: {  	s10 =	ssub.s32 s31, s10;
	s9 =	sadd.s32 s8, s4;
	s4 =	sadd.s32 $0xF800, s4  }
0xa: {  	s5 =	sadd.s32 s5, s8;
	s7 =	sadd.s32 s7, s8;
	s6 =	sadd.s32 $0xFE00, s9  }
0xb: {  	v0 =	vimm.f32 $0.0e+00;
	s8 =	sadd.s32 $0x37000, s9;
	s9 =	smax.u32 s10, $0x1;
	s10 =	simm.s32 $0x1  }
.LBB2_1:
.Ltmp0:
0xc: {  	(pc) =	sbr.rel .LBB2_2-.Ltmp0, $4  }
0xd: {  	[tilespmem:s2], [sflag:$0x1] =	stream.linear.gather [hbm4b:s5+s2], $0x9C40, $0x38;
	[tilespmem:$0x17980] =	vst v63  }
0xe: {  	_ =	swait.ge [sflag:s10], $0x9C40  }
0xf: {  	[sflag:s10] =	ssyncset.done $0x0  }
0x10: {  	s14 =	simm.s32 $0x0;
	[sflag:s10] =	ssyncadd.s32 $0xFFFF63C0  }
.LBB2_7:
0x11: {  	s14 =	sadd.s32 $0x1, s14  }
0x12: {  	p1 =	sne.s32 s14, $0x32  }
.Ltmp1:
0x13: {  	_ = 	snop;
	(pc) =	sbr.rel @!p1 .LBB2_8-.Ltmp1, $1  }
0x14: {  	_ =	sdelay $0x3  }
.LBB2_2:
0x15: {  	s15 =	smul.u32 $0x320, s14;
	_ =	sdelay $0x1  }
.Ltmp2:
0x16: {  	s16 =	sadd.s32 s3, s15;
	s15 =	simm.s32 $0x0;
	(pc) =	sbr.rel .LBB2_3-.Ltmp2, $4  }
0x17: {  	[tilespmem:s11], [sflag:$0x1] =	stream.linear.gather [hbm4b:s16+s15], $0x1900, $0x38;
	[tilespmem:$0x17980] =	vst v63  }
0x18: {  	_ =	swait.ge [sflag:s10], $0x1900  }
0x19: {  	[sflag:s10] =	ssyncset.done $0x0  }
0x1a: {  	[sflag:s10] =	ssyncadd.s32 $0xFFFFE700  }
.LBB2_6:
0x1b: {  	s15 =	sadd.s32 $0x1, s15  }
0x1c: {  	p1 =	sne.s32 s15, $0x190  }
.Ltmp3:
0x1d: {  	_ = 	snop;
	(pc) =	sbr.rel @!p1 .LBB2_7-.Ltmp3, $1  }
0x1e: {  	_ =	sdelay $0x3  }
.LBB2_3:
0x1f: {  	s16 =	sshll.u32 s15, $0x4  }
0x20: {  	s16 =	sand.u32 $0x3FFFFFF0, s16  }
0x21: {  	v2 =	vld [tilespmem:s16+$0x13900];
	_ =	sdelay $0x4  }
0x22: {  	v1 =	vshrl.u32 v2, $0x10  }
0x23: {  	(xrf1) =	vunique.msk.u32 $0xffff, v1;
	_ =	sdelay $0xd  }
0x24: {  	_, v3, vm0 =	vpop (xrf1)  }
0x25: {  	v3 =	vsel vm0, $0x3F800000, v0  }
0x26: {  	(xrf0) =	vmin.scan.msk.f32 $0xffff, v3;
	_ =	sdelay $0x4  }
0x27: {  	v2 =	vand.u32 $0xFFFF, v2  }
0x28: {  	v5, _, _ =	vpop (xrf0)  }
0x29: {  	v4 =	vadd.s32 $0x2710, v2;
	(v2sf) =	vpush v5, $0xF  }
0x2a: {  	v6 =	vadd.s32 $0x4E20, v2  }
0x2b: {  	v8 =	vadd.s32 $0x7530, v2  }
0x2c: {  	v2 =	vld.idx.msk [tilespmem:v2+s2+$0x0], $0xffff;
	v3 =	vadd.s32 $0x2710, v1  }
0x2d: {  	v9 =	vld.idx.msk [tilespmem:v1+s12+$0x0], $0xffff;
	v5 =	vadd.s32 $0x4E20, v1  }
0x2e: {  	v7 =	vadd.s32 $0x7530, v1;
	v4 =	vld.idx.msk [tilespmem:v4+s2+$0x0], $0xffff  }
0x2f: {  	v6 =	vld.idx.msk [tilespmem:v6+s2+$0x0], $0xffff  }
0x30: {  	v8 =	vld.idx.msk [tilespmem:v8+s2+$0x0], $0xffff  }
0x31: {  	v10 =	vld.idx.msk [tilespmem:v3+s12+$0x0], $0xffff  }
0x32: {  	v11 =	vld.idx.msk [tilespmem:v5+s12+$0x0], $0xffff  }
0x33: {  	v12 =	vld.idx.msk [tilespmem:v7+s12+$0x0], $0xffff;
	_ =	sdelay $0x1  }
0x34: {  	vm15 =	vgt.f32 v2, v9  }
0x35: {  	vm1 =	vgt.f32 v4, v10  }
0x36: {  	vm2 =	vgt.f32 v6, v11  }
0x37: {  	vm3 =	vgt.f32 v8, v12;
	s31 =	spop (v2sf)  }
0x38: {  	p1 =	sgt.f32 s31, $0.0e+00  }
.Ltmp4:
0x39: {  	_ = 	snop;
	(pc) =	sbr.rel @p1 .LBB2_6-.Ltmp4, $4  }
0x3a: {  	[tilespmem:v1+s12+$0x0] =	vst.idx.msk vm15, v2  }
0x3b: {  	[tilespmem:v3+s12+$0x0] =	vst.idx.msk vm1, v4  }
0x3c: {  	[tilespmem:v5+s12+$0x0] =	vst.idx.msk vm2, v6  }
0x3d: {  	[tilespmem:v7+s12+$0x0] =	vst.idx.msk vm3, v8  }
.LBB2_4:
0x3e: {  	_ =	sdelay $0x3  }
0x3f: {  	v9 =	vld.idx.msk [tilespmem:v1+s12+$0x0], $0xffff;
	_ =	sdelay $0x1  }
0x40: {  	v10 =	vld.idx.msk [tilespmem:v3+s12+$0x0], $0xffff;
	_ =	sdelay $0x1  }
0x41: {  	v11 =	vld.idx.msk [tilespmem:v5+s12+$0x0], $0xffff  }
0x42: {  	vm0 =	vgt.f32 v2, v9  }
0x43: {  	v9 =	vsel vm0, $0x3F800000, v0  }
0x44: {  	vm1 =	vgt.f32 v4, v10;
	(xrf0) =	vmax.scan.msk.f32 $0xffff, v9  }
0x45: {  	v10 =	vsel vm1, $0x3F800000, v0;
	v9 =	vld.idx.msk [tilespmem:v7+s12+$0x0], $0xffff  }
0x46: {  	vm2 =	vgt.f32 v6, v11;
	(xrf0) =	vmax.scan.msk.f32 $0xffff, v10  }
0x47: {  	v10 =	vsel vm2, $0x3F800000, v0;
	_ =	sdelay $0x1  }
0x48: {  	(xrf0) =	vmax.scan.msk.f32 $0xffff, v10  }
0x49: {  	vm3 =	vgt.f32 v8, v9;
	v10, _, _ =	vpop (xrf0)  }
0x4a: {  	v9 =	vsel vm3, $0x3F800000, v0;
	(v2sf) =	vpush v10, $0xF  }
0x4b: {  	v10, _, _ =	vpop (xrf0);
	(xrf0) =	vmax.scan.msk.f32 $0xffff, v9  }
0x4c: {  	(v2sf) =	vpush v10, $0xF;
	_ =	sdelay $0x1  }
0x4d: {  	v9, _, _ =	vpop (xrf0)  }
0x4e: {  	(v2sf) =	vpush v9, $0xF;
	_ =	sdelay $0x1  }
0x4f: {  	v9, _, _ =	vpop (xrf0)  }
0x50: {  	(v2sf) =	vpush v9, $0xF;
	_ =	sdelay $0x6  }
0x51: {  	s16 =	spop (v2sf)  }
0x52: {  	p1 =	sgt.f32 s16, $0.0e+00  }
0x53: {  	s16 =	spop (v2sf)  }
0x54: {  	p2 =	sgt.f32 @!p1 s16, $0.0e+00;
	_ =	sdelay $0x1  }
0x55: {  	s16 =	spop (v2sf);
	p1 =	por p1, p2  }
0x56: {  	p2 =	sgt.f32 @!p1 s16, $0.0e+00;
	_ =	sdelay $0x1  }
0x57: {  	s16 =	spop (v2sf);
	p1 =	por p1, p2  }
0x58: {  	p2 =	sgt.f32 @!p1 s16, $0.0e+00;
	_ =	sdelay $0x1  }
0x59: {  	p1 =	por p1, p2  }
.Ltmp5:
0x5a: {  	_ = 	snop;
	(pc) =	sbr.rel @!p1 .LBB2_6-.Ltmp5, $1  }
0x5b: {  	_ =	sdelay $0x3  }
0x5c: {  	_ =	sdelay $0x3  }
.Ltmp6:
0x5d: {  	_ = 	snop;
	(pc) =	sbr.rel .LBB2_4-.Ltmp6, $4  }
0x5e: {  	[tilespmem:v1+s12+$0x0] =	vst.idx.msk vm0, v2  }
0x5f: {  	[tilespmem:v3+s12+$0x0] =	vst.idx.msk vm1, v4  }
0x60: {  	[tilespmem:v5+s12+$0x0] =	vst.idx.msk vm2, v6  }
0x61: {  	[tilespmem:v7+s12+$0x0] =	vst.idx.msk vm3, v8  }
.LBB2_8:
0x62: {  	[hbm4b:s6+s2] =	stream.linear.scatter [tilespmem:s12], [sflag:$0x1], $0x9C40, $0x38;
	[tilespmem:$0x17980] =	vst v63  }
0x63: {  	_ =	swait.ge [sflag:s10], $0x9C40  }
0x64: {  	[sflag:s10] =	ssyncset.done $0x0  }
0x65: {  	s14 =	simm.s32 @!p0 $0x0;
	s15 =	simm.s32 @!p0 $0x15200;
	[sflag:s10] =	ssyncadd.s32 $0xFFFF63C0  }
0x66: {  	[hbm4b:s4+s14] =	stream.linear.scatter @!p0 [tilespmem:s15], [sflag:$0x1], $0x2780, $0x38;
	[tilespmem:$0x17980] =	vst v63  }
0x67: {  	s14 =	simm.s32 @!p0 $0x1  }
0x68: {  	_ =	swait.ge @!p0 [sflag:s14], $0x2780  }
0x69: {  	[sflag:s14] =	ssyncset.done @!p0 $0x0  }
0x6a: {  	s30 =	simm.s32 $0x0;
	[sflag:s14] =	ssyncadd.s32 @!p0 $0xFFFFD880  }
0x6b: {  	[tilespmem:s30], [sflag:$0x1] =	stream.linear.gather [hbm4b:s7+s30], $0x9C40, $0x38;
	[tilespmem:$0x17980] =	vst v63  }
0x6c: {  	_ =	swait.ge [sflag:s10], $0x9C40  }
0x6d: {  	[sflag:s10] =	ssyncset.done $0x0  }
0x6e: {  	s31 =	sadd.s32 $0x0, s3;
	[sflag:s10] =	ssyncadd.s32 $0xFFFF63C0  }
0x6f: {  	[tilespmem:s11], [sflag:$0x1] =	stream.linear.gather [hbm4b:s31+s2], $0x1900, $0x38;
	[tilespmem:$0x17980] =	vst v63  }
0x70: {  	_ =	swait.ge [sflag:s10], $0x1900  }
0x71: {  	s14 =	simm.s32 $0x320;
	[sflag:s10] =	ssyncset.done $0x0  }
.LBB2_9:
0x72: {  	s15 =	sadd.s32 s14, s3;
	[sflag:s10] =	ssyncadd.s32 $0xFFFFE700;
	p1 =	sne.s32 s14, $0x9920  }
0x73: {  	[tilespmem:s11], [sflag:$0x1] =	stream.linear.gather [hbm4b:s15+s2], $0x1900, $0x38;
	[tilespmem:$0x17980] =	vst v63  }
.Ltmp7:
0x74: {  	_ = 	snop;
	(pc) =	sbr.rel @p1 .LBB2_9-.Ltmp7, $4  }
0x75: {  	_ = 	snop  }
0x76: {  	s14 =	sadd.s32 $0x320, s14  }
0x77: {  	_ =	swait.ge [sflag:s10], $0x1900  }
0x78: {  	[sflag:s10] =	ssyncset.done $0x0  }
0x79: {  	s13 =	sadd.s32 $0x1, s13  }
0x7a: {  	p1 =	sne.s32 s13, s9  }
.Ltmp8:
0x7b: {  	[sflag:s10] =	ssyncadd.s32 $0xFFFFE700;
	(pc) =	sbr.rel @p1 .LBB2_1-.Ltmp8, $4  }
0x7c: {  	[hbm4b:s8+s2] =	stream.linear.scatter [tilespmem:s12], [sflag:$0x1], $0x9C40, $0x38;
	[tilespmem:$0x17980] =	vst v63  }
0x7d: {  	_ =	swait.ge [sflag:s10], $0x9C40  }
0x7e: {  	[sflag:s10] =	ssyncset.done $0x0  }
0x7f: {  	[sflag:s10] =	ssyncadd.s32 $0xFFFF63C0  }
0x80: {  	_ =	sfence.sel $0x180000  }
0x81: {  	[bflag:$0x0] =	sbarrier.arrive $0xFFFF  }
0x82: {  	p0 =	sne.s32 s0, $0x0;
	_ =	strace $0x90000047  }
0x83: {  	s0 =	sadd.s32 @!p0 $0x100000, s1;
	[bflag:$0x2] =	sbarrier.arrive $0xFFFF  }
0x84: {  	[sflag:s0] =	ssyncadd.tile.s32 @!p0 $0x1;
	_ =	shalt  }
.Lfunc_end2:
_tile_overlayer_lowered:
.L_overlay_start_2:
0x85: {  	(tag) =	ssettag $0x2  }
0x86: {  	s0 =	rddreg [dreg:$0x0];
	s2 =	stileid.u32  }
0x87: {  	s1 =	rddreg [dreg:$0x1];
	p0 =	sne.s32 s2, $0x0  }
0x88: {  	s3 =	rddreg [dreg:$0x2];
	[bflag:$0x3] =	sbarrier.arrive $0xFFFF;
	s2 =	simm.s32 @!p0 $0x1C01  }
0x89: {  	[timem:s3], [sflag:s2] =	dma.local @!p0 [hbm:s0], s1  }
0x8a: {  	s0 =	simm.s32 @!p0 $0x1  }
0x8b: {  	_ =	swait.ge @!p0 [sflag:s0], s1  }
0x8c: {  	s1 =	ssub.s32 @!p0 $0x0, s1;
	[sflag:s0] =	ssyncset.done @!p0 $0x0  }
0x8d: {  	[sflag:s0] =	ssyncadd.s32 @!p0 s1  }
0x8e: {  	[bflag:$0x3] =	sbarrier.arrive $0xFFFF  }
0x8f: {  	_ =	shalt  }

// kernel: kernel.15.cloned.1.call-start
scs
__scs_entry_jumppad:
0x0: {  	(pc) =	sbr.rel $0x88, $3  }
0x1: {  	(tag) =	ssettag $0x0;
	lr =	simm.s32 $0x1  }
0x2: {  	[smem:$0x3F8F] =	sst lr;
	_ =	strace $0xD0000000  }
0x3: {  	_ = 	snop  }
0x4: {  	_ = 	snop  }
0x5: {  	_ = 	snop  }
0x6: {  	_ = 	snop  }
0x7: {  	_ = 	snop  }
__scs_overlays_trampoline_lowered:
0x8: {  	[smem:$0x3F9E] =	sst s0  }
0x9: {  	[smem:$0x3F9F] =	sst s1  }
0xa: {  	[smem:$0x3FA0] =	sst s2  }
0xb: {  	[smem:$0x3FA1] =	sst s3  }
0xc: {  	[smem:$0x3FA2] =	sst s4  }
0xd: {  	[smem:$0x3FA3] =	sst s5  }
0xe: {  	[smem:$0x3FA4] =	sst s6  }
0xf: {  	[smem:$0x3FA5] =	sst s7  }
0x10: {  	[smem:$0x3FA6] =	sst s8  }
0x11: {  	[smem:$0x3FA7] =	sst s9;
	s0 =	simm.s32 @!p0 $0x0  }
0x12: {  	s1 =	sld [smem:$0x3F8D];
	s0 =	simm.s32 @p0 $0x1  }
0x13: {  	[smem:$0x3FA8] =	sst s0;
	s0 =	simm.s32 @!p1 $0x0  }
0x14: {  	s2 =	sld [smem:$0x3F8C];
	s0 =	simm.s32 @p1 $0x1  }
0x15: {  	[smem:$0x3FA9] =	sst s0;
	s0 =	simm.s32 @!p2 $0x0  }
0x16: {  	s3 =	sld [smem:$0x3FDB];
	s0 =	simm.s32 @p2 $0x1  }
0x17: {  	s4 =	simm.s32 $0x1BF5;
	[smem:$0x3FAB] =	sst s0  }
0x18: {  	s0 =	sld [smem:$0x3F8E];
	_ =	swait.ge [sflag:s4], $0x0  }
0x19: {  	s7 =	sld [smem:$0x3F8F]  }
0x1a: {  	s8 =	sadd.s32 $0xFFFFE003, lr  }
0x1b: {  	s9 =	sadd.s32 $0xFFFFFEF7, lr;
	s5 =	simm.s32 $0xFFFFFFFF;
	p2 =	slt.u32 s8, $0xFFFFF086  }
0x1c: {  	p1 =	slt.u32 s9, $0xF7A;
	s5 =	simm.s32 @!p2 $0x0  }
0x1d: {  	s5 =	simm.s32 @p1 $0x1;
	p0 =	seq.s32 s7, s2  }
0x1e: {  	s7 =	smul.u32 @!p0 $0xF7A, s2;
	p2 =	seq.s32 @!p0 s5, $0x0  }
0x1f: {  	s9 =	smul.u32 $0xF7A, s1;
	s8 =	simm.s32 @!p0 $0x1BF5;
	p2 =	por !p2, p0  }
0x20: {  	[sflag:s8] =	ssyncset.s32 @!p0 $0xFFFFF086;
	s6 =	sadd.s32 @!p0 s3, s7;
	s7 =	simm.s32 @!p0 $0x108  }
0x21: {  	s3 =	sadd.s32 s3, s9;
	s6 =	sadd.s32 @!p0 $0x88, s6;
	s7 =	simm.s32 @p2 $0x1082  }
0x22: {  	[simem:s7], [sflag:s8] =	dma.local @!p0 [hbm:s6], $0xF7A  }
0x23: {  	s9 =	sor.u32 $0xD0000000, s2;
	s6 =	simm.s32 $0x108;
	_ =	swait.ge @!p0 [sflag:s8], $0x0  }
0x24: {  	s3 =	sadd.s32 $0x88, s3;
	s6 =	simm.s32 @!p1 $0x1082;
	[sflag:s4] =	ssyncset.s32 $0xFFFFF086  }
0x25: {  	[simem:s6], [sflag:s4] =	dma.local [hbm:s3], $0xF7A  }
0x26: {  	[smem:$0x3F8F] =	sst s1;
	(tag) =	ssettag s2;
	_ =	strace s9  }
0x27: {  	s1 =	sld [smem:$0x3F9F]  }
0x28: {  	s2 =	sld [smem:$0x3FA0]  }
0x29: {  	s4 =	sld [smem:$0x3FA2]  }
0x2a: {  	p0 =	seq.s32 s5, $0x0;
	s5 =	sld [smem:$0x3FA3]  }
0x2b: {  	s6 =	sld [smem:$0x3FA4]  }
0x2c: {  	s7 =	sld [smem:$0x3FA5]  }
0x2d: {  	s3 =	simm.s32 $0x108;
	s8 =	sld [smem:$0x3FA6]  }
0x2e: {  	s3 =	simm.s32 @!p0 $0x1082;
	s9 =	sld [smem:$0x3FA7]  }
0x2f: {  	lr =	sadd.s32 s0, s3;
	s0 =	sld [smem:$0x3F9E]  }
0x30: {  	s3 =	sld [smem:$0x3FA1]  }
0x31: {  	[smem:$0x3FAA] =	sst s10  }
0x32: {  	s10 =	sld [smem:$0x3FA8];
	_ =	sdelay $0x3  }
0x33: {  	p0 =	seq.s32 s10, $0x1;
	s10 =	sld [smem:$0x3FAA];
	_ =	sdelay $0x3  }
0x34: {  	[smem:$0x3FAA] =	sst s10  }
0x35: {  	s10 =	sld [smem:$0x3FA9];
	_ =	sdelay $0x3  }
0x36: {  	p1 =	seq.s32 s10, $0x1;
	s10 =	sld [smem:$0x3FAA];
	_ =	sdelay $0x3  }
0x37: {  	[smem:$0x3FAA] =	sst s10  }
0x38: {  	s10 =	sld [smem:$0x3FAB]  }
0x39: {  	_ = 	snop;
	(pc) =	sbr.ind lr, $3  }
0x3a: {  	_ = 	snop  }
0x3b: {  	_ = 	snop  }
0x3c: {  	p2 =	seq.s32 s10, $0x1;
	s10 =	sld [smem:$0x3FAA]  }
0x3d: {  	_ =	shalt  }
0x3e: {  	_ =	shalt  }
0x3f: {  	_ =	shalt  }
0x40: {  	_ =	shalt  }
0x41: {  	_ =	shalt  }
0x42: {  	_ =	shalt  }
0x43: {  	_ =	shalt  }
0x44: {  	_ =	shalt  }
0x45: {  	_ =	shalt  }
0x46: {  	_ =	shalt  }
0x47: {  	_ =	shalt  }
0x48: {  	_ =	shalt  }
0x49: {  	_ =	shalt  }
0x4a: {  	_ =	shalt  }
0x4b: {  	_ =	shalt  }
0x4c: {  	_ =	shalt  }
0x4d: {  	_ =	shalt  }
0x4e: {  	_ =	shalt  }
0x4f: {  	_ =	shalt  }
0x50: {  	_ =	shalt  }
0x51: {  	_ =	shalt  }
0x52: {  	_ =	shalt  }
0x53: {  	_ =	shalt  }
0x54: {  	_ =	shalt  }
0x55: {  	_ =	shalt  }
0x56: {  	_ =	shalt  }
0x57: {  	_ =	shalt  }
0x58: {  	_ =	shalt  }
0x59: {  	_ =	shalt  }
0x5a: {  	_ =	shalt  }
0x5b: {  	_ =	shalt  }
0x5c: {  	_ =	shalt  }
0x5d: {  	_ =	shalt  }
0x5e: {  	_ =	shalt  }
0x5f: {  	_ =	shalt  }
0x60: {  	_ =	shalt  }
0x61: {  	_ =	shalt  }
0x62: {  	_ =	shalt  }
0x63: {  	_ =	shalt  }
0x64: {  	_ =	shalt  }
0x65: {  	_ =	shalt  }
0x66: {  	_ =	shalt  }
0x67: {  	_ =	shalt  }
0x68: {  	_ =	shalt  }
0x69: {  	_ =	shalt  }
0x6a: {  	_ =	shalt  }
0x6b: {  	_ =	shalt  }
0x6c: {  	_ =	shalt  }
0x6d: {  	_ =	shalt  }
0x6e: {  	_ =	shalt  }
0x6f: {  	_ =	shalt  }
0x70: {  	_ =	shalt  }
0x71: {  	_ =	shalt  }
0x72: {  	_ =	shalt  }
0x73: {  	_ =	shalt  }
0x74: {  	_ =	shalt  }
0x75: {  	_ =	shalt  }
0x76: {  	_ =	shalt  }
0x77: {  	_ =	shalt  }
0x78: {  	_ =	shalt  }
0x79: {  	_ =	shalt  }
0x7a: {  	_ =	shalt  }
0x7b: {  	_ =	shalt  }
0x7c: {  	_ =	shalt  }
0x7d: {  	_ =	shalt  }
0x7e: {  	_ =	shalt  }
0x7f: {  	_ =	shalt  }
0x80: {  	_ =	shalt  }
0x81: {  	_ =	shalt  }
0x82: {  	_ =	shalt  }
0x83: {  	_ =	shalt  }
0x84: {  	_ =	shalt  }
0x85: {  	_ =	shalt  }
0x86: {  	_ =	shalt  }
0x87: {  	_ =	shalt  }
.Lfunc_end0:
.L_simem_size_0:
called_computation.1_lowered:
.L_overlay_start_0:
0x88: {  	s2 =	sld [smem:$0x3FD9]  }
0x89: {  	s3 =	sld [smem:$0x3FFE];
	_ =	sdelay $0x1  }
0x8a: {  	s1 =	srdreg.scid  }
0x8b: {  	s0 =	sand.u32 $0x1, s1  }
0x8c: {  	s14 =	sshll.u32 s0, $0xA;
	s2 =	sadd.s32 s3, s2  }
0x8d: {  	s2 =	sadd.s32 s2, s14  }
0x8e: {  	[smem:$0x3FB6] =	sst s2  }
0x8f: {  	_ = 	snop  }
0x90: {  	s2 =	sld [smem:$0x3FD0];
	_ =	sdelay $0x2  }
0x91: {  	s15 =	simm.s32 $0xA;
	s4 =	simm.s32 $0x10  }
0x92: {  	[smem:s4], [sflag:s15] =	dma.local [hbm:s2], $0x1  }
0x93: {  	_ =	swait.eq [sflag:s15], $0x1  }
0x94: {  	[sflag:s15] =	ssyncset.done $0x0  }
0x95: {  	[sflag:s15] =	ssyncadd.s32 $0xFFFFFFFF  }
0x96: {  	s16 =	sld [smem:$0x12];
	(tm) =	ssettm $0x1  }
0x97: {  	s17 =	sld [smem:$0x3FFB];
	_ =	sdelay $0x3  }
0x98: {  	_ =	strace s17  }
0x99: {  	s3 =	sld [smem:$0x3FFC];
	_ =	sdelay $0x3  }
0x9a: {  	_ =	strace s3  }
0x9b: {  	s3 =	sld [smem:$0x3FFD];
	_ =	sdelay $0x3  }
0x9c: {  	_ =	strace s3  }
0x9d: {  	_ =	strace $0x8FFFFFFF  }
0x9e: {  	s18 =	sld [smem:$0x3FDB];
	_ =	sdelay $0x1  }
0x9f: {  	s19 =	simm.s32 $_scs_section_size  }
0xa0: {  	s5 =	simm.s32 $_size__tile_overlayer_lowered;
	s6 =	simm.s32 $_tile_overlayer_lowered  }
0xa1: {  	s22 =	simm.s32 $0x1BFF;
	s21 =	sshll.u32 s6, $0x1;
	s3 =	sadd.s32 s19, s18  }
0xa2: {  	s7 =	simm.s32 $0x0;
	s20 =	sshll.u32 s5, $0x1;
	s5 =	sadd.s32 s21, s3  }
0xa3: {  	[timem:s7], [sflag:s22] =	dma.local [hbm:s5], s20  }
0xa4: {  	_ =	swait.ge [sflag:s22], s20  }
0xa5: {  	s4 =	ssub.s32 $0x0, s20;
	[sflag:s22] =	ssyncset.done $0x0  }
0xa6: {  	[sflag:s22] =	ssyncadd.s32 s4;
	_ =	sdelay $0x1  }
0xa7: {  	s23 =	simm.s32 $0x1B8B  }
0xa8: {  	_ =	swait.ge [sflag:s23], $0x1  }
0xa9: {  	[sflag:s23] =	ssyncset.done $0x0  }
0xaa: {  	s25 =	simm.s32 $0x1B8E;
	s24 =	sld [smem:$0x3FFE];
	[sflag:s23] =	ssyncadd.s32 $0xFFFFFFFF  }
0xab: {  	s26 =	simm.s32 $execute0_lowered;
	[smem:$0x3FD2] =	sst s25  }
0xac: {  	s5 =	sshll.u32 s26, $0x1;
	_ =	strace $0x80000049;
	[dreg:$0x1] =	wrdreg $0xFFFFFFFF  }
0xad: {  	s28 =	simm.s32 $_size_execute0_lowered;
	s3 =	sadd.s32 s3, s5;
	[dreg:$0x0] =	wrdreg $0x0  }
0xae: {  	s5 =	sshll.u32 s28, $0x1;
	[dreg:$0x2] =	wrdreg s3  }
0xaf: {  	[dreg:$0x3] =	wrdreg s5  }
0xb0: {  	[dreg:$0x4] =	wrdreg $0xC0  }
0xb1: {  	_ =	task [dreg:s7], $0x5FFFF  }
0xb2: {  	[dreg:$0x1] =	wrdreg $0xFFFFFFFF  }
0xb3: {  	[dreg:$0x0] =	wrdreg $0x60  }
0xb4: {  	[dreg:$0x2] =	wrdreg s24  }
0xb5: {  	[dreg:$0x3] =	wrdreg s16  }
0xb6: {  	[dreg:$0x4] =	wrdreg $0x9  }
0xb7: {  	_ =	task.clear_ibuf [dreg:s7], $0x5FFFF;
	_ =	strace $0x90000049  }
0xb8: {  	s29 =	simm.s32 $0x9;
	_ =	strace $0x8000004B  }
0xb9: {  	_ =	swait.ge [sflag:s29], $0x1  }
0xba: {  	[sflag:s29] =	ssyncadd.s32 $0xFFFFFFFF  }
0xbb: {  	_ =	strace $0x9000004B  }
0xbc: {  	_ =	sfence  }
0xbd: {  	s30 =	sld [smem:$0x0];
	_ =	sdelay $0x2  }
0xbe: {  	s31 =	sshll.u32 s1, $0xD;
	s1 =	sshrl.u32 s1, $0x2  }
0xbf: {  	s3 =	sand.u32 $0x4000, s31;
	s1 =	sadd.s32 s1, s30  }
0xc0: {  	s0 =	sor.u32 s3, s0;
	s1 =	sshll.u32 s1, $0x11  }
0xc1: {  	s0 =	sor.u32 s1, s0  }
0xc2: {  	s0 =	sadd.s32 $0x8F2B, s0  }
0xc3: {  	[sflag:s0] =	ssyncadd.remote.s32 $0x1  }
0xc4: {  	_ =	sfence.sel $0xFFFF  }
0xc5: {  	[dreg:$0x0] =	wrdreg $0xFFFFFFFF;
	(pc) =	sbr.abs _section_cstart, $3  }
0xc6: {  	[dreg:$0x1] =	wrdreg $0xFFFFFFFF  }
0xc7: {  	_ =	task.clear_ibuf [dreg:s7], $0x2FFFF;
	_ =	strace $0x9FFFFFFF  }
0xc8: {  	(tm) =	ssettm $0x7FFFFFFF  }
0xc9: {  	_ =	shalt  }
tec
execute0_lowered:
.L_overlay_start_1:
0x0: {  	(tag) =	ssettag $0x1  }
0x1: {  	s1 =	srdreg.scid;
	s0 =	stileid.u32  }
0x2: {  	s6 =	sand.u32 $0x1, s1;
	s31 =	sshll.u32 s0, $0x1  }
0x3: {  	s7 =	rddreg [dreg:$0x0];
	s10 =	sor.u32 s6, s31  }
0x4: {  	s3 =	rddreg [dreg:$0x1];
	s2 =	simm.s32 $0x0;
	s8 =	smul.u32 $0x1388, s10  }
0x5: {  	s4 =	simm.s32 $0x1;
	[smem:$0x7FF] =	sst s2  }
0x6: {  	s1 =	rddreg [dreg:$0x2];
	_ =	strace $0x8000004A;
	s3 =	sadd.s32 s3, s8  }
0x7: {  	[tilespmem:s2], [sflag:$0x1] =	stream.linear.gather [hbm4b:s3+s2], $0x9C40, $0x38;
	[tilespmem:$0x18800] =	vst v63  }
0x8: {  	s5 =	sadd.s32 $0x5A00, s7;
	_ =	swait.ge [sflag:s4], $0x9C40  }
0x9: {  	s9 =	ssub.s32 $0x2, s6;
	s6 =	simm.s32 $0x13900;
	[sflag:s4] =	ssyncset.done $0x0  }
0xa: {  	s11 =	sshrl.u32 s9, $0x1;
	p0 =	sne.s32 s10, $0x0;
	[sflag:s4] =	ssyncadd.s32 $0xFFFF63C0  }
0xb: {  	[tilespmem:s6], [sflag:$0x1] =	stream.linear.gather [hbm4b:s5+s2], $0x2710, $0x38;
	[tilespmem:$0x18800] =	vst v63  }
0xc: {  	s11 =	ssub.s32 s9, s11;
	s9 =	simm.s32 $0x9C80;
	_ =	swait.ge [sflag:s4], $0x2710  }
0xd: {  	s8 =	sadd.s32 s8, s7;
	s11 =	smax.u32 s11, $0x1;
	[sflag:s4] =	ssyncset.done $0x0  }
0xe: {  	s8 =	sadd.s32 $0xFE00, s8;
	s11 =	sadd.s32 $0xFFFFFFFF, s11;
	[sflag:s4] =	ssyncadd.s32 $0xFFFFD8F0  }
0xf: {  	[hbm4b:s8+s2] =	stream.linear.scatter [tilespmem:s9], [sflag:$0x1], $0x9C40, $0x38;
	[tilespmem:$0x18800] =	vst v63  }
0x10: {  	s10 =	simm.s32 @!p0 $0x1;
	p1 =	sne.s32 s11, $0x0;
	_ =	swait.ge [sflag:s4], $0x9C40  }
.Ltmp0:
0x11: {  	s12 =	simm.s32 @!p0 $0x0;
	[sflag:s4] =	ssyncset.done $0x0;
	(pc) =	sbr.rel @!p1 .LBB2_2-.Ltmp0, $4  }
0x12: {  	s13 =	simm.s32 @!p0 $0x16080;
	s7 =	sadd.s32 $0xF800, s7;
	[sflag:s4] =	ssyncadd.s32 $0xFFFF63C0  }
0x13: {  	[hbm4b:s7+s12] =	stream.linear.scatter @!p0 [tilespmem:s13], [sflag:$0x1], $0x2780, $0x38;
	[tilespmem:$0x18800] =	vst v63  }
0x14: {  	_ =	swait.ge @!p0 [sflag:s10], $0x2780  }
0x15: {  	[sflag:s10] =	ssyncset.done @!p0 $0x0  }
.LBB2_1:
0x16: {  	s11 =	sadd.s32 $0xFFFFFFFF, s11;
	[sflag:s10] =	ssyncadd.s32 @!p0 $0xFFFFD880  }
0x17: {  	[tilespmem:s2], [sflag:$0x1] =	stream.linear.gather [hbm4b:s3+s2], $0x9C40, $0x38;
	[tilespmem:$0x18800] =	vst v63  }
0x18: {  	p1 =	sne.s32 s11, $0x0;
	_ =	swait.ge [sflag:s4], $0x9C40  }
0x19: {  	[sflag:s4] =	ssyncset.done $0x0  }
0x1a: {  	[sflag:s4] =	ssyncadd.s32 $0xFFFF63C0  }
0x1b: {  	[tilespmem:s6], [sflag:$0x1] =	stream.linear.gather [hbm4b:s5+s2], $0x2710, $0x38;
	[tilespmem:$0x18800] =	vst v63  }
0x1c: {  	_ =	swait.ge [sflag:s4], $0x2710  }
0x1d: {  	[sflag:s4] =	ssyncset.done $0x0  }
0x1e: {  	[sflag:s4] =	ssyncadd.s32 $0xFFFFD8F0  }
0x1f: {  	[hbm4b:s8+s2] =	stream.linear.scatter [tilespmem:s9], [sflag:$0x1], $0x9C40, $0x38;
	[tilespmem:$0x18800] =	vst v63  }
0x20: {  	_ =	swait.ge [sflag:s4], $0x9C40  }
.Ltmp1:
0x21: {  	[sflag:s4] =	ssyncset.done $0x0;
	(pc) =	sbr.rel @p1 .LBB2_1-.Ltmp1, $4  }
0x22: {  	[sflag:s4] =	ssyncadd.s32 $0xFFFF63C0  }
0x23: {  	[hbm4b:s7+s12] =	stream.linear.scatter @!p0 [tilespmem:s13], [sflag:$0x1], $0x2780, $0x38;
	[tilespmem:$0x18800] =	vst v63  }
0x24: {  	_ =	swait.ge @!p0 [sflag:s10], $0x2780  }
0x25: {  	[sflag:s10] =	ssyncset.done @!p0 $0x0  }
.LBB2_2:
0x26: {  	[sflag:s10] =	ssyncadd.s32 @!p0 $0xFFFFD880  }
0x27: {  	_ =	sfence.sel $0x180000  }
0x28: {  	[bflag:$0x0] =	sbarrier.arrive $0xFFFF  }
0x29: {  	p0 =	sne.s32 s0, $0x0;
	_ =	strace $0x9000004A  }
0x2a: {  	s0 =	sadd.s32 @!p0 $0x100000, s1;
	[bflag:$0x2] =	sbarrier.arrive $0xFFFF  }
0x2b: {  	[sflag:s0] =	ssyncadd.tile.s32 @!p0 $0x1;
	_ =	shalt  }
.Lfunc_end2:
_tile_overlayer_lowered:
.L_overlay_start_2:
0x2c: {  	(tag) =	ssettag $0x2  }
0x2d: {  	s0 =	rddreg [dreg:$0x0];
	s2 =	stileid.u32  }
0x2e: {  	s1 =	rddreg [dreg:$0x1];
	p0 =	sne.s32 s2, $0x0  }
0x2f: {  	s3 =	rddreg [dreg:$0x2];
	[bflag:$0x3] =	sbarrier.arrive $0xFFFF;
	s2 =	simm.s32 @!p0 $0x1C01  }
0x30: {  	[timem:s3], [sflag:s2] =	dma.local @!p0 [hbm:s0], s1  }
0x31: {  	s0 =	simm.s32 @!p0 $0x1  }
0x32: {  	_ =	swait.ge @!p0 [sflag:s0], s1  }
0x33: {  	s1 =	ssub.s32 @!p0 $0x0, s1;
	[sflag:s0] =	ssyncset.done @!p0 $0x0  }
0x34: {  	[sflag:s0] =	ssyncadd.s32 @!p0 s1  }
0x35: {  	[bflag:$0x3] =	sbarrier.arrive $0xFFFF  }
0x36: {  	_ =	shalt  }

// kernel: kernel.18.cloned.1.call-start
scs
__scs_entry_jumppad:
0x0: {  	(pc) =	sbr.rel $0x88, $3  }
0x1: {  	(tag) =	ssettag $0x0;
	lr =	simm.s32 $0x1  }
0x2: {  	[smem:$0x3F8F] =	sst lr;
	_ =	strace $0xD0000000  }
0x3: {  	_ = 	snop  }
0x4: {  	_ = 	snop  }
0x5: {  	_ = 	snop  }
0x6: {  	_ = 	snop  }
0x7: {  	_ = 	snop  }
__scs_overlays_trampoline_lowered:
0x8: {  	[smem:$0x3F9E] =	sst s0  }
0x9: {  	[smem:$0x3F9F] =	sst s1  }
0xa: {  	[smem:$0x3FA0] =	sst s2  }
0xb: {  	[smem:$0x3FA1] =	sst s3  }
0xc: {  	[smem:$0x3FA2] =	sst s4  }
0xd: {  	[smem:$0x3FA3] =	sst s5  }
0xe: {  	[smem:$0x3FA4] =	sst s6  }
0xf: {  	[smem:$0x3FA5] =	sst s7  }
0x10: {  	[smem:$0x3FA6] =	sst s8  }
0x11: {  	[smem:$0x3FA7] =	sst s9;
	s0 =	simm.s32 @!p0 $0x0  }
0x12: {  	s1 =	sld [smem:$0x3F8D];
	s0 =	simm.s32 @p0 $0x1  }
0x13: {  	[smem:$0x3FA8] =	sst s0;
	s0 =	simm.s32 @!p1 $0x0  }
0x14: {  	s2 =	sld [smem:$0x3F8C];
	s0 =	simm.s32 @p1 $0x1  }
0x15: {  	[smem:$0x3FA9] =	sst s0;
	s0 =	simm.s32 @!p2 $0x0  }
0x16: {  	s3 =	sld [smem:$0x3FDB];
	s0 =	simm.s32 @p2 $0x1  }
0x17: {  	s4 =	simm.s32 $0x1BF5;
	[smem:$0x3FAB] =	sst s0  }
0x18: {  	s0 =	sld [smem:$0x3F8E];
	_ =	swait.ge [sflag:s4], $0x0  }
0x19: {  	s7 =	sld [smem:$0x3F8F]  }
0x1a: {  	s8 =	sadd.s32 $0xFFFFE003, lr  }
0x1b: {  	s9 =	sadd.s32 $0xFFFFFEF7, lr;
	s5 =	simm.s32 $0xFFFFFFFF;
	p2 =	slt.u32 s8, $0xFFFFF086  }
0x1c: {  	p1 =	slt.u32 s9, $0xF7A;
	s5 =	simm.s32 @!p2 $0x0  }
0x1d: {  	s5 =	simm.s32 @p1 $0x1;
	p0 =	seq.s32 s7, s2  }
0x1e: {  	s7 =	smul.u32 @!p0 $0xF7A, s2;
	p2 =	seq.s32 @!p0 s5, $0x0  }
0x1f: {  	s9 =	smul.u32 $0xF7A, s1;
	s8 =	simm.s32 @!p0 $0x1BF5;
	p2 =	por !p2, p0  }
0x20: {  	[sflag:s8] =	ssyncset.s32 @!p0 $0xFFFFF086;
	s6 =	sadd.s32 @!p0 s3, s7;
	s7 =	simm.s32 @!p0 $0x108  }
0x21: {  	s3 =	sadd.s32 s3, s9;
	s6 =	sadd.s32 @!p0 $0x88, s6;
	s7 =	simm.s32 @p2 $0x1082  }
0x22: {  	[simem:s7], [sflag:s8] =	dma.local @!p0 [hbm:s6], $0xF7A  }
0x23: {  	s9 =	sor.u32 $0xD0000000, s2;
	s6 =	simm.s32 $0x108;
	_ =	swait.ge @!p0 [sflag:s8], $0x0  }
0x24: {  	s3 =	sadd.s32 $0x88, s3;
	s6 =	simm.s32 @!p1 $0x1082;
	[sflag:s4] =	ssyncset.s32 $0xFFFFF086  }
0x25: {  	[simem:s6], [sflag:s4] =	dma.local [hbm:s3], $0xF7A  }
0x26: {  	[smem:$0x3F8F] =	sst s1;
	(tag) =	ssettag s2;
	_ =	strace s9  }
0x27: {  	s1 =	sld [smem:$0x3F9F]  }
0x28: {  	s2 =	sld [smem:$0x3FA0]  }
0x29: {  	s4 =	sld [smem:$0x3FA2]  }
0x2a: {  	p0 =	seq.s32 s5, $0x0;
	s5 =	sld [smem:$0x3FA3]  }
0x2b: {  	s6 =	sld [smem:$0x3FA4]  }
0x2c: {  	s7 =	sld [smem:$0x3FA5]  }
0x2d: {  	s3 =	simm.s32 $0x108;
	s8 =	sld [smem:$0x3FA6]  }
0x2e: {  	s3 =	simm.s32 @!p0 $0x1082;
	s9 =	sld [smem:$0x3FA7]  }
0x2f: {  	lr =	sadd.s32 s0, s3;
	s0 =	sld [smem:$0x3F9E]  }
0x30: {  	s3 =	sld [smem:$0x3FA1]  }
0x31: {  	[smem:$0x3FAA] =	sst s10  }
0x32: {  	s10 =	sld [smem:$0x3FA8];
	_ =	sdelay $0x3  }
0x33: {  	p0 =	seq.s32 s10, $0x1;
	s10 =	sld [smem:$0x3FAA];
	_ =	sdelay $0x3  }
0x34: {  	[smem:$0x3FAA] =	sst s10  }
0x35: {  	s10 =	sld [smem:$0x3FA9];
	_ =	sdelay $0x3  }
0x36: {  	p1 =	seq.s32 s10, $0x1;
	s10 =	sld [smem:$0x3FAA];
	_ =	sdelay $0x3  }
0x37: {  	[smem:$0x3FAA] =	sst s10  }
0x38: {  	s10 =	sld [smem:$0x3FAB]  }
0x39: {  	_ = 	snop;
	(pc) =	sbr.ind lr, $3  }
0x3a: {  	_ = 	snop  }
0x3b: {  	_ = 	snop  }
0x3c: {  	p2 =	seq.s32 s10, $0x1;
	s10 =	sld [smem:$0x3FAA]  }
0x3d: {  	_ =	shalt  }
0x3e: {  	_ =	shalt  }
0x3f: {  	_ =	shalt  }
0x40: {  	_ =	shalt  }
0x41: {  	_ =	shalt  }
0x42: {  	_ =	shalt  }
0x43: {  	_ =	shalt  }
0x44: {  	_ =	shalt  }
0x45: {  	_ =	shalt  }
0x46: {  	_ =	shalt  }
0x47: {  	_ =	shalt  }
0x48: {  	_ =	shalt  }
0x49: {  	_ =	shalt  }
0x4a: {  	_ =	shalt  }
0x4b: {  	_ =	shalt  }
0x4c: {  	_ =	shalt  }
0x4d: {  	_ =	shalt  }
0x4e: {  	_ =	shalt  }
0x4f: {  	_ =	shalt  }
0x50: {  	_ =	shalt  }
0x51: {  	_ =	shalt  }
0x52: {  	_ =	shalt  }
0x53: {  	_ =	shalt  }
0x54: {  	_ =	shalt  }
0x55: {  	_ =	shalt  }
0x56: {  	_ =	shalt  }
0x57: {  	_ =	shalt  }
0x58: {  	_ =	shalt  }
0x59: {  	_ =	shalt  }
0x5a: {  	_ =	shalt  }
0x5b: {  	_ =	shalt  }
0x5c: {  	_ =	shalt  }
0x5d: {  	_ =	shalt  }
0x5e: {  	_ =	shalt  }
0x5f: {  	_ =	shalt  }
0x60: {  	_ =	shalt  }
0x61: {  	_ =	shalt  }
0x62: {  	_ =	shalt  }
0x63: {  	_ =	shalt  }
0x64: {  	_ =	shalt  }
0x65: {  	_ =	shalt  }
0x66: {  	_ =	shalt  }
0x67: {  	_ =	shalt  }
0x68: {  	_ =	shalt  }
0x69: {  	_ =	shalt  }
0x6a: {  	_ =	shalt  }
0x6b: {  	_ =	shalt  }
0x6c: {  	_ =	shalt  }
0x6d: {  	_ =	shalt  }
0x6e: {  	_ =	shalt  }
0x6f: {  	_ =	shalt  }
0x70: {  	_ =	shalt  }
0x71: {  	_ =	shalt  }
0x72: {  	_ =	shalt  }
0x73: {  	_ =	shalt  }
0x74: {  	_ =	shalt  }
0x75: {  	_ =	shalt  }
0x76: {  	_ =	shalt  }
0x77: {  	_ =	shalt  }
0x78: {  	_ =	shalt  }
0x79: {  	_ =	shalt  }
0x7a: {  	_ =	shalt  }
0x7b: {  	_ =	shalt  }
0x7c: {  	_ =	shalt  }
0x7d: {  	_ =	shalt  }
0x7e: {  	_ =	shalt  }
0x7f: {  	_ =	shalt  }
0x80: {  	_ =	shalt  }
0x81: {  	_ =	shalt  }
0x82: {  	_ =	shalt  }
0x83: {  	_ =	shalt  }
0x84: {  	_ =	shalt  }
0x85: {  	_ =	shalt  }
0x86: {  	_ =	shalt  }
0x87: {  	_ =	shalt  }
.Lfunc_end0:
.L_simem_size_0:
called_computation.2_lowered:
.L_overlay_start_0:
0x88: {  	s2 =	sld [smem:$0x3FD9]  }
0x89: {  	s3 =	sld [smem:$0x3FFE];
	_ =	sdelay $0x1  }
0x8a: {  	s1 =	srdreg.scid  }
0x8b: {  	s0 =	sand.u32 $0x1, s1  }
0x8c: {  	s14 =	sshll.u32 s0, $0xA;
	s2 =	sadd.s32 s3, s2  }
0x8d: {  	s2 =	sadd.s32 s2, s14  }
0x8e: {  	[smem:$0x3FB6] =	sst s2  }
0x8f: {  	_ = 	snop  }
0x90: {  	s2 =	sld [smem:$0x3FD0];
	_ =	sdelay $0x2  }
0x91: {  	s15 =	simm.s32 $0xA;
	s4 =	simm.s32 $0x10  }
0x92: {  	[smem:s4], [sflag:s15] =	dma.local [hbm:s2], $0x1  }
0x93: {  	_ =	swait.eq [sflag:s15], $0x1  }
0x94: {  	[sflag:s15] =	ssyncset.done $0x0  }
0x95: {  	[sflag:s15] =	ssyncadd.s32 $0xFFFFFFFF  }
0x96: {  	s16 =	sld [smem:$0x11];
	(tm) =	ssettm $0x1  }
0x97: {  	s17 =	sld [smem:$0x3FFB];
	_ =	sdelay $0x3  }
0x98: {  	_ =	strace s17  }
0x99: {  	s3 =	sld [smem:$0x3FFC];
	_ =	sdelay $0x3  }
0x9a: {  	_ =	strace s3  }
0x9b: {  	s3 =	sld [smem:$0x3FFD];
	_ =	sdelay $0x3  }
0x9c: {  	_ =	strace s3  }
0x9d: {  	_ =	strace $0x8FFFFFFF  }
0x9e: {  	s18 =	sld [smem:$0x3FDB];
	_ =	sdelay $0x1  }
0x9f: {  	s19 =	simm.s32 $_scs_section_size  }
0xa0: {  	s5 =	simm.s32 $_size__tile_overlayer_lowered;
	s6 =	simm.s32 $_tile_overlayer_lowered  }
0xa1: {  	s22 =	simm.s32 $0x1BFF;
	s21 =	sshll.u32 s6, $0x1;
	s3 =	sadd.s32 s19, s18  }
0xa2: {  	s7 =	simm.s32 $0x0;
	s20 =	sshll.u32 s5, $0x1;
	s5 =	sadd.s32 s21, s3  }
0xa3: {  	[timem:s7], [sflag:s22] =	dma.local [hbm:s5], s20  }
0xa4: {  	_ =	swait.ge [sflag:s22], s20  }
0xa5: {  	s4 =	ssub.s32 $0x0, s20;
	[sflag:s22] =	ssyncset.done $0x0  }
0xa6: {  	[sflag:s22] =	ssyncadd.s32 s4;
	_ =	sdelay $0x1  }
0xa7: {  	s23 =	simm.s32 $0x1B8B  }
0xa8: {  	_ =	swait.ge [sflag:s23], $0x1  }
0xa9: {  	[sflag:s23] =	ssyncset.done $0x0  }
0xaa: {  	s25 =	simm.s32 $0x1B8E;
	s24 =	sld [smem:$0x3FFE];
	[sflag:s23] =	ssyncadd.s32 $0xFFFFFFFF  }
0xab: {  	s26 =	simm.s32 $execute0_lowered;
	[smem:$0x3FD2] =	sst s25  }
0xac: {  	s5 =	sshll.u32 s26, $0x1;
	_ =	strace $0x8000004C;
	[dreg:$0x1] =	wrdreg $0xFFFFFFFF  }
0xad: {  	s28 =	simm.s32 $_size_execute0_lowered;
	s3 =	sadd.s32 s3, s5;
	[dreg:$0x0] =	wrdreg $0x0  }
0xae: {  	s5 =	sshll.u32 s28, $0x1;
	[dreg:$0x2] =	wrdreg s3  }
0xaf: {  	[dreg:$0x3] =	wrdreg s5  }
0xb0: {  	[dreg:$0x4] =	wrdreg $0xC0  }
0xb1: {  	_ =	task [dreg:s7], $0x5FFFF  }
0xb2: {  	[dreg:$0x1] =	wrdreg $0xFFFFFFFF  }
0xb3: {  	[dreg:$0x0] =	wrdreg $0x60  }
0xb4: {  	[dreg:$0x2] =	wrdreg s24  }
0xb5: {  	[dreg:$0x3] =	wrdreg s16  }
0xb6: {  	[dreg:$0x4] =	wrdreg $0x9  }
0xb7: {  	_ =	task.clear_ibuf [dreg:s7], $0x5FFFF;
	_ =	strace $0x9000004C  }
0xb8: {  	s29 =	simm.s32 $0x9;
	_ =	strace $0x8000004E  }
0xb9: {  	_ =	swait.ge [sflag:s29], $0x1  }
0xba: {  	[sflag:s29] =	ssyncadd.s32 $0xFFFFFFFF  }
0xbb: {  	_ =	strace $0x9000004E  }
0xbc: {  	_ =	sfence  }
0xbd: {  	s30 =	sld [smem:$0x0];
	_ =	sdelay $0x2  }
0xbe: {  	s31 =	sshll.u32 s1, $0xD;
	s1 =	sshrl.u32 s1, $0x2  }
0xbf: {  	s3 =	sand.u32 $0x4000, s31;
	s1 =	sadd.s32 s1, s30  }
0xc0: {  	s0 =	sor.u32 s3, s0;
	s1 =	sshll.u32 s1, $0x11  }
0xc1: {  	s0 =	sor.u32 s1, s0  }
0xc2: {  	s0 =	sadd.s32 $0x8F2B, s0  }
0xc3: {  	[sflag:s0] =	ssyncadd.remote.s32 $0x1  }
0xc4: {  	_ =	sfence.sel $0xFFFF  }
0xc5: {  	[dreg:$0x0] =	wrdreg $0xFFFFFFFF;
	(pc) =	sbr.abs _section_cstart, $3  }
0xc6: {  	[dreg:$0x1] =	wrdreg $0xFFFFFFFF  }
0xc7: {  	_ =	task.clear_ibuf [dreg:s7], $0x2FFFF;
	_ =	strace $0x9FFFFFFF  }
0xc8: {  	(tm) =	ssettm $0x7FFFFFFF  }
0xc9: {  	_ =	shalt  }
tec
execute0_lowered:
.L_overlay_start_1:
0x0: {  	(tag) =	ssettag $0x1  }
0x1: {  	s4 =	rddreg [dreg:$0x0];
	s1 =	srdreg.scid  }
0x2: {  	s0 =	stileid.u32;
	s5 =	rddreg [dreg:$0x1];
	s2 =	simm.s32 $0x0  }
0x3: {  	s10 =	simm.s32 $0x13900;
	s3 =	sand.u32 $0x1, s1;
	s6 =	sshll.u32 s0, $0x1  }
0x4: {  	s11 =	simm.s32 $0x9C80;
	s12 =	simm.s32 $0x0;
	s6 =	sor.u32 s3, s6  }
0x5: {  	[smem:$0x7FF] =	sst s2;
	s7 =	ssub.s32 $0x2, s3;
	s6 =	smul.u32 $0x1388, s6  }
0x6: {  	s1 =	rddreg [dreg:$0x2];
	_ =	strace $0x8000004D;
	s8 =	sshrl.u32 s7, $0x1  }
0x7: {  	s3 =	sadd.s32 $0x5A00, s4;
	s8 =	ssub.s32 s7, s8;
	s9 =	sadd.s32 s6, s4  }
0x8: {  	s4 =	sadd.s32 s5, s6;
	s8 =	smax.u32 s8, $0x1;
	s5 =	sadd.s32 $0x36A00, s9  }
0x9: {  	v0 =	vimm.f32 $0.0e+00;
	s6 =	sadd.s32 $0xF800, s9;
	s7 =	sadd.s32 $0x85A00, s9;
	s9 =	simm.s32 $0x1  }
.LBB2_1:
.Ltmp0:
0xa: {  	(pc) =	sbr.rel .LBB2_2-.Ltmp0, $4  }
0xb: {  	[tilespmem:s2], [sflag:$0x1] =	stream.linear.gather [hbm4b:s4+s2], $0x9C40, $0x38;
	[tilespmem:$0x15200] =	vst v63  }
0xc: {  	_ =	swait.ge [sflag:s9], $0x9C40  }
0xd: {  	[sflag:s9] =	ssyncset.done $0x0  }
0xe: {  	s13 =	simm.s32 $0x0;
	[sflag:s9] =	ssyncadd.s32 $0xFFFF63C0  }
.LBB2_7:
0xf: {  	s13 =	sadd.s32 $0x1, s13  }
0x10: {  	p0 =	sne.s32 s13, $0x32  }
.Ltmp1:
0x11: {  	_ = 	snop;
	(pc) =	sbr.rel @!p0 .LBB2_8-.Ltmp1, $1  }
0x12: {  	_ =	sdelay $0x3  }
.LBB2_2:
0x13: {  	s14 =	smul.u32 $0x320, s13;
	_ =	sdelay $0x1  }
.Ltmp2:
0x14: {  	s15 =	sadd.s32 s3, s14;
	s14 =	simm.s32 $0x0;
	(pc) =	sbr.rel .LBB2_3-.Ltmp2, $4  }
0x15: {  	[tilespmem:s10], [sflag:$0x1] =	stream.linear.gather [hbm4b:s15+s14], $0x1900, $0x38;
	[tilespmem:$0x15200] =	vst v63  }
0x16: {  	_ =	swait.ge [sflag:s9], $0x1900  }
0x17: {  	[sflag:s9] =	ssyncset.done $0x0  }
0x18: {  	[sflag:s9] =	ssyncadd.s32 $0xFFFFE700  }
.LBB2_6:
0x19: {  	s14 =	sadd.s32 $0x1, s14  }
0x1a: {  	p0 =	sne.s32 s14, $0x190  }
.Ltmp3:
0x1b: {  	_ = 	snop;
	(pc) =	sbr.rel @!p0 .LBB2_7-.Ltmp3, $1  }
0x1c: {  	_ =	sdelay $0x3  }
.LBB2_3:
0x1d: {  	s15 =	sshll.u32 s14, $0x4  }
0x1e: {  	s15 =	sand.u32 $0x3FFFFFF0, s15  }
0x1f: {  	v2 =	vld [tilespmem:s15+$0x13900];
	_ =	sdelay $0x4  }
0x20: {  	v1 =	vshrl.u32 v2, $0x10  }
0x21: {  	(xrf1) =	vunique.msk.u32 $0xffff, v1;
	_ =	sdelay $0xd  }
0x22: {  	_, v3, vm0 =	vpop (xrf1)  }
0x23: {  	v3 =	vsel vm0, $0x3F800000, v0  }
0x24: {  	(xrf0) =	vmin.scan.msk.f32 $0xffff, v3;
	_ =	sdelay $0x4  }
0x25: {  	v2 =	vand.u32 $0xFFFF, v2  }
0x26: {  	v5, _, _ =	vpop (xrf0)  }
0x27: {  	v4 =	vadd.s32 $0x2710, v2;
	(v2sf) =	vpush v5, $0xF  }
0x28: {  	v6 =	vadd.s32 $0x4E20, v2  }
0x29: {  	v8 =	vadd.s32 $0x7530, v2  }
0x2a: {  	v2 =	vld.idx.msk [tilespmem:v2+s2+$0x0], $0xffff;
	v3 =	vadd.s32 $0x2710, v1  }
0x2b: {  	v9 =	vld.idx.msk [tilespmem:v1+s11+$0x0], $0xffff;
	v5 =	vadd.s32 $0x4E20, v1  }
0x2c: {  	v7 =	vadd.s32 $0x7530, v1;
	v4 =	vld.idx.msk [tilespmem:v4+s2+$0x0], $0xffff  }
0x2d: {  	v6 =	vld.idx.msk [tilespmem:v6+s2+$0x0], $0xffff  }
0x2e: {  	v8 =	vld.idx.msk [tilespmem:v8+s2+$0x0], $0xffff  }
0x2f: {  	v10 =	vld.idx.msk [tilespmem:v3+s11+$0x0], $0xffff  }
0x30: {  	v11 =	vld.idx.msk [tilespmem:v5+s11+$0x0], $0xffff  }
0x31: {  	v12 =	vld.idx.msk [tilespmem:v7+s11+$0x0], $0xffff;
	_ =	sdelay $0x1  }
0x32: {  	vm15 =	vgt.f32 v2, v9  }
0x33: {  	vm1 =	vgt.f32 v4, v10  }
0x34: {  	vm2 =	vgt.f32 v6, v11  }
0x35: {  	vm3 =	vgt.f32 v8, v12;
	s31 =	spop (v2sf)  }
0x36: {  	p0 =	sgt.f32 s31, $0.0e+00  }
.Ltmp4:
0x37: {  	_ = 	snop;
	(pc) =	sbr.rel @p0 .LBB2_6-.Ltmp4, $4  }
0x38: {  	[tilespmem:v1+s11+$0x0] =	vst.idx.msk vm15, v2  }
0x39: {  	[tilespmem:v3+s11+$0x0] =	vst.idx.msk vm1, v4  }
0x3a: {  	[tilespmem:v5+s11+$0x0] =	vst.idx.msk vm2, v6  }
0x3b: {  	[tilespmem:v7+s11+$0x0] =	vst.idx.msk vm3, v8  }
.LBB2_4:
0x3c: {  	_ =	sdelay $0x3  }
0x3d: {  	v9 =	vld.idx.msk [tilespmem:v1+s11+$0x0], $0xffff;
	_ =	sdelay $0x1  }
0x3e: {  	v10 =	vld.idx.msk [tilespmem:v3+s11+$0x0], $0xffff;
	_ =	sdelay $0x1  }
0x3f: {  	v11 =	vld.idx.msk [tilespmem:v5+s11+$0x0], $0xffff  }
0x40: {  	vm0 =	vgt.f32 v2, v9  }
0x41: {  	v9 =	vsel vm0, $0x3F800000, v0  }
0x42: {  	vm1 =	vgt.f32 v4, v10;
	(xrf0) =	vmax.scan.msk.f32 $0xffff, v9  }
0x43: {  	v10 =	vsel vm1, $0x3F800000, v0;
	v9 =	vld.idx.msk [tilespmem:v7+s11+$0x0], $0xffff  }
0x44: {  	vm2 =	vgt.f32 v6, v11;
	(xrf0) =	vmax.scan.msk.f32 $0xffff, v10  }
0x45: {  	v10 =	vsel vm2, $0x3F800000, v0;
	_ =	sdelay $0x1  }
0x46: {  	(xrf0) =	vmax.scan.msk.f32 $0xffff, v10  }
0x47: {  	vm3 =	vgt.f32 v8, v9;
	v10, _, _ =	vpop (xrf0)  }
0x48: {  	v9 =	vsel vm3, $0x3F800000, v0;
	(v2sf) =	vpush v10, $0xF  }
0x49: {  	v10, _, _ =	vpop (xrf0);
	(xrf0) =	vmax.scan.msk.f32 $0xffff, v9  }
0x4a: {  	(v2sf) =	vpush v10, $0xF;
	_ =	sdelay $0x1  }
0x4b: {  	v9, _, _ =	vpop (xrf0)  }
0x4c: {  	(v2sf) =	vpush v9, $0xF;
	_ =	sdelay $0x1  }
0x4d: {  	v9, _, _ =	vpop (xrf0)  }
0x4e: {  	(v2sf) =	vpush v9, $0xF;
	_ =	sdelay $0x6  }
0x4f: {  	s15 =	spop (v2sf)  }
0x50: {  	p0 =	sgt.f32 s15, $0.0e+00  }
0x51: {  	s15 =	spop (v2sf)  }
0x52: {  	p1 =	sgt.f32 @!p0 s15, $0.0e+00;
	_ =	sdelay $0x1  }
0x53: {  	s15 =	spop (v2sf);
	p0 =	por p0, p1  }
0x54: {  	p1 =	sgt.f32 @!p0 s15, $0.0e+00;
	_ =	sdelay $0x1  }
0x55: {  	s15 =	spop (v2sf);
	p0 =	por p0, p1  }
0x56: {  	p1 =	sgt.f32 @!p0 s15, $0.0e+00;
	_ =	sdelay $0x1  }
0x57: {  	p0 =	por p0, p1  }
.Ltmp5:
0x58: {  	_ = 	snop;
	(pc) =	sbr.rel @!p0 .LBB2_6-.Ltmp5, $1  }
0x59: {  	_ =	sdelay $0x3  }
0x5a: {  	_ =	sdelay $0x3  }
.Ltmp6:
0x5b: {  	_ = 	snop;
	(pc) =	sbr.rel .LBB2_4-.Ltmp6, $4  }
0x5c: {  	[tilespmem:v1+s11+$0x0] =	vst.idx.msk vm0, v2  }
0x5d: {  	[tilespmem:v3+s11+$0x0] =	vst.idx.msk vm1, v4  }
0x5e: {  	[tilespmem:v5+s11+$0x0] =	vst.idx.msk vm2, v6  }
0x5f: {  	[tilespmem:v7+s11+$0x0] =	vst.idx.msk vm3, v8  }
.LBB2_8:
0x60: {  	s13 =	simm.s32 $0x0  }
0x61: {  	[hbm4b:s5+s13] =	stream.linear.scatter [tilespmem:s11], [sflag:$0x1], $0x9C40, $0x38;
	[tilespmem:$0x15200] =	vst v63  }
0x62: {  	_ =	swait.ge [sflag:s9], $0x9C40  }
0x63: {  	[sflag:s9] =	ssyncset.done $0x0  }
0x64: {  	[sflag:s9] =	ssyncadd.s32 $0xFFFF63C0  }
0x65: {  	[tilespmem:s13], [sflag:$0x1] =	stream.linear.gather [hbm4b:s6+s13], $0x9C40, $0x38;
	[tilespmem:$0x15200] =	vst v63  }
0x66: {  	_ =	swait.ge [sflag:s9], $0x9C40  }
0x67: {  	[sflag:s9] =	ssyncset.done $0x0  }
0x68: {  	s31 =	sadd.s32 $0x0, s3;
	[sflag:s9] =	ssyncadd.s32 $0xFFFF63C0  }
0x69: {  	[tilespmem:s10], [sflag:$0x1] =	stream.linear.gather [hbm4b:s31+s2], $0x1900, $0x38;
	[tilespmem:$0x15200] =	vst v63  }
0x6a: {  	_ =	swait.ge [sflag:s9], $0x1900  }
0x6b: {  	s13 =	simm.s32 $0x320;
	[sflag:s9] =	ssyncset.done $0x0  }
.LBB2_9:
0x6c: {  	s14 =	sadd.s32 s13, s3;
	[sflag:s9] =	ssyncadd.s32 $0xFFFFE700;
	p0 =	sne.s32 s13, $0x9920  }
0x6d: {  	[tilespmem:s10], [sflag:$0x1] =	stream.linear.gather [hbm4b:s14+s2], $0x1900, $0x38;
	[tilespmem:$0x15200] =	vst v63  }
.Ltmp7:
0x6e: {  	_ = 	snop;
	(pc) =	sbr.rel @p0 .LBB2_9-.Ltmp7, $4  }
0x6f: {  	_ = 	snop  }
0x70: {  	s13 =	sadd.s32 $0x320, s13  }
0x71: {  	_ =	swait.ge [sflag:s9], $0x1900  }
0x72: {  	[sflag:s9] =	ssyncset.done $0x0  }
0x73: {  	s12 =	sadd.s32 $0x1, s12  }
0x74: {  	p0 =	sne.s32 s12, s8  }
.Ltmp8:
0x75: {  	[sflag:s9] =	ssyncadd.s32 $0xFFFFE700;
	(pc) =	sbr.rel @p0 .LBB2_1-.Ltmp8, $4  }
0x76: {  	[hbm4b:s7+s2] =	stream.linear.scatter [tilespmem:s11], [sflag:$0x1], $0x9C40, $0x38;
	[tilespmem:$0x15200] =	vst v63  }
0x77: {  	_ =	swait.ge [sflag:s9], $0x9C40  }
0x78: {  	[sflag:s9] =	ssyncset.done $0x0  }
0x79: {  	[sflag:s9] =	ssyncadd.s32 $0xFFFF63C0  }
0x7a: {  	_ =	sfence.sel $0x180000  }
0x7b: {  	[bflag:$0x0] =	sbarrier.arrive $0xFFFF  }
0x7c: {  	p0 =	sne.s32 s0, $0x0;
	_ =	strace $0x9000004D  }
0x7d: {  	s0 =	sadd.s32 @!p0 $0x100000, s1;
	[bflag:$0x2] =	sbarrier.arrive $0xFFFF  }
0x7e: {  	[sflag:s0] =	ssyncadd.tile.s32 @!p0 $0x1;
	_ =	shalt  }
.Lfunc_end2:
_tile_overlayer_lowered:
.L_overlay_start_2:
0x7f: {  	(tag) =	ssettag $0x2  }
0x80: {  	s0 =	rddreg [dreg:$0x0];
	s2 =	stileid.u32  }
0x81: {  	s1 =	rddreg [dreg:$0x1];
	p0 =	sne.s32 s2, $0x0  }
0x82: {  	s3 =	rddreg [dreg:$0x2];
	[bflag:$0x3] =	sbarrier.arrive $0xFFFF;
	s2 =	simm.s32 @!p0 $0x1C01  }
0x83: {  	[timem:s3], [sflag:s2] =	dma.local @!p0 [hbm:s0], s1  }
0x84: {  	s0 =	simm.s32 @!p0 $0x1  }
0x85: {  	_ =	swait.ge @!p0 [sflag:s0], s1  }
0x86: {  	s1 =	ssub.s32 @!p0 $0x0, s1;
	[sflag:s0] =	ssyncset.done @!p0 $0x0  }
0x87: {  	[sflag:s0] =	ssyncadd.s32 @!p0 s1  }
0x88: {  	[bflag:$0x3] =	sbarrier.arrive $0xFFFF  }
0x89: {  	_ =	shalt  }

// kernel: kernel.21.cloned.1.call-start
scs
__scs_entry_jumppad:
0x0: {  	(pc) =	sbr.rel $0x88, $3  }
0x1: {  	(tag) =	ssettag $0x0;
	lr =	simm.s32 $0x1  }
0x2: {  	[smem:$0x3F8F] =	sst lr;
	_ =	strace $0xD0000000  }
0x3: {  	_ = 	snop  }
0x4: {  	_ = 	snop  }
0x5: {  	_ = 	snop  }
0x6: {  	_ = 	snop  }
0x7: {  	_ = 	snop  }
__scs_overlays_trampoline_lowered:
0x8: {  	[smem:$0x3F9E] =	sst s0  }
0x9: {  	[smem:$0x3F9F] =	sst s1  }
0xa: {  	[smem:$0x3FA0] =	sst s2  }
0xb: {  	[smem:$0x3FA1] =	sst s3  }
0xc: {  	[smem:$0x3FA2] =	sst s4  }
0xd: {  	[smem:$0x3FA3] =	sst s5  }
0xe: {  	[smem:$0x3FA4] =	sst s6  }
0xf: {  	[smem:$0x3FA5] =	sst s7  }
0x10: {  	[smem:$0x3FA6] =	sst s8  }
0x11: {  	[smem:$0x3FA7] =	sst s9;
	s0 =	simm.s32 @!p0 $0x0  }
0x12: {  	s1 =	sld [smem:$0x3F8D];
	s0 =	simm.s32 @p0 $0x1  }
0x13: {  	[smem:$0x3FA8] =	sst s0;
	s0 =	simm.s32 @!p1 $0x0  }
0x14: {  	s2 =	sld [smem:$0x3F8C];
	s0 =	simm.s32 @p1 $0x1  }
0x15: {  	[smem:$0x3FA9] =	sst s0;
	s0 =	simm.s32 @!p2 $0x0  }
0x16: {  	s3 =	sld [smem:$0x3FDB];
	s0 =	simm.s32 @p2 $0x1  }
0x17: {  	s4 =	simm.s32 $0x1BF5;
	[smem:$0x3FAB] =	sst s0  }
0x18: {  	s0 =	sld [smem:$0x3F8E];
	_ =	swait.ge [sflag:s4], $0x0  }
0x19: {  	s7 =	sld [smem:$0x3F8F]  }
0x1a: {  	s8 =	sadd.s32 $0xFFFFE003, lr  }
0x1b: {  	s9 =	sadd.s32 $0xFFFFFEF7, lr;
	s5 =	simm.s32 $0xFFFFFFFF;
	p2 =	slt.u32 s8, $0xFFFFF086  }
0x1c: {  	p1 =	slt.u32 s9, $0xF7A;
	s5 =	simm.s32 @!p2 $0x0  }
0x1d: {  	s5 =	simm.s32 @p1 $0x1;
	p0 =	seq.s32 s7, s2  }
0x1e: {  	s7 =	smul.u32 @!p0 $0xF7A, s2;
	p2 =	seq.s32 @!p0 s5, $0x0  }
0x1f: {  	s9 =	smul.u32 $0xF7A, s1;
	s8 =	simm.s32 @!p0 $0x1BF5;
	p2 =	por !p2, p0  }
0x20: {  	[sflag:s8] =	ssyncset.s32 @!p0 $0xFFFFF086;
	s6 =	sadd.s32 @!p0 s3, s7;
	s7 =	simm.s32 @!p0 $0x108  }
0x21: {  	s3 =	sadd.s32 s3, s9;
	s6 =	sadd.s32 @!p0 $0x88, s6;
	s7 =	simm.s32 @p2 $0x1082  }
0x22: {  	[simem:s7], [sflag:s8] =	dma.local @!p0 [hbm:s6], $0xF7A  }
0x23: {  	s9 =	sor.u32 $0xD0000000, s2;
	s6 =	simm.s32 $0x108;
	_ =	swait.ge @!p0 [sflag:s8], $0x0  }
0x24: {  	s3 =	sadd.s32 $0x88, s3;
	s6 =	simm.s32 @!p1 $0x1082;
	[sflag:s4] =	ssyncset.s32 $0xFFFFF086  }
0x25: {  	[simem:s6], [sflag:s4] =	dma.local [hbm:s3], $0xF7A  }
0x26: {  	[smem:$0x3F8F] =	sst s1;
	(tag) =	ssettag s2;
	_ =	strace s9  }
0x27: {  	s1 =	sld [smem:$0x3F9F]  }
0x28: {  	s2 =	sld [smem:$0x3FA0]  }
0x29: {  	s4 =	sld [smem:$0x3FA2]  }
0x2a: {  	p0 =	seq.s32 s5, $0x0;
	s5 =	sld [smem:$0x3FA3]  }
0x2b: {  	s6 =	sld [smem:$0x3FA4]  }
0x2c: {  	s7 =	sld [smem:$0x3FA5]  }
0x2d: {  	s3 =	simm.s32 $0x108;
	s8 =	sld [smem:$0x3FA6]  }
0x2e: {  	s3 =	simm.s32 @!p0 $0x1082;
	s9 =	sld [smem:$0x3FA7]  }
0x2f: {  	lr =	sadd.s32 s0, s3;
	s0 =	sld [smem:$0x3F9E]  }
0x30: {  	s3 =	sld [smem:$0x3FA1]  }
0x31: {  	[smem:$0x3FAA] =	sst s10  }
0x32: {  	s10 =	sld [smem:$0x3FA8];
	_ =	sdelay $0x3  }
0x33: {  	p0 =	seq.s32 s10, $0x1;
	s10 =	sld [smem:$0x3FAA];
	_ =	sdelay $0x3  }
0x34: {  	[smem:$0x3FAA] =	sst s10  }
0x35: {  	s10 =	sld [smem:$0x3FA9];
	_ =	sdelay $0x3  }
0x36: {  	p1 =	seq.s32 s10, $0x1;
	s10 =	sld [smem:$0x3FAA];
	_ =	sdelay $0x3  }
0x37: {  	[smem:$0x3FAA] =	sst s10  }
0x38: {  	s10 =	sld [smem:$0x3FAB]  }
0x39: {  	_ = 	snop;
	(pc) =	sbr.ind lr, $3  }
0x3a: {  	_ = 	snop  }
0x3b: {  	_ = 	snop  }
0x3c: {  	p2 =	seq.s32 s10, $0x1;
	s10 =	sld [smem:$0x3FAA]  }
0x3d: {  	_ =	shalt  }
0x3e: {  	_ =	shalt  }
0x3f: {  	_ =	shalt  }
0x40: {  	_ =	shalt  }
0x41: {  	_ =	shalt  }
0x42: {  	_ =	shalt  }
0x43: {  	_ =	shalt  }
0x44: {  	_ =	shalt  }
0x45: {  	_ =	shalt  }
0x46: {  	_ =	shalt  }
0x47: {  	_ =	shalt  }
0x48: {  	_ =	shalt  }
0x49: {  	_ =	shalt  }
0x4a: {  	_ =	shalt  }
0x4b: {  	_ =	shalt  }
0x4c: {  	_ =	shalt  }
0x4d: {  	_ =	shalt  }
0x4e: {  	_ =	shalt  }
0x4f: {  	_ =	shalt  }
0x50: {  	_ =	shalt  }
0x51: {  	_ =	shalt  }
0x52: {  	_ =	shalt  }
0x53: {  	_ =	shalt  }
0x54: {  	_ =	shalt  }
0x55: {  	_ =	shalt  }
0x56: {  	_ =	shalt  }
0x57: {  	_ =	shalt  }
0x58: {  	_ =	shalt  }
0x59: {  	_ =	shalt  }
0x5a: {  	_ =	shalt  }
0x5b: {  	_ =	shalt  }
0x5c: {  	_ =	shalt  }
0x5d: {  	_ =	shalt  }
0x5e: {  	_ =	shalt  }
0x5f: {  	_ =	shalt  }
0x60: {  	_ =	shalt  }
0x61: {  	_ =	shalt  }
0x62: {  	_ =	shalt  }
0x63: {  	_ =	shalt  }
0x64: {  	_ =	shalt  }
0x65: {  	_ =	shalt  }
0x66: {  	_ =	shalt  }
0x67: {  	_ =	shalt  }
0x68: {  	_ =	shalt  }
0x69: {  	_ =	shalt  }
0x6a: {  	_ =	shalt  }
0x6b: {  	_ =	shalt  }
0x6c: {  	_ =	shalt  }
0x6d: {  	_ =	shalt  }
0x6e: {  	_ =	shalt  }
0x6f: {  	_ =	shalt  }
0x70: {  	_ =	shalt  }
0x71: {  	_ =	shalt  }
0x72: {  	_ =	shalt  }
0x73: {  	_ =	shalt  }
0x74: {  	_ =	shalt  }
0x75: {  	_ =	shalt  }
0x76: {  	_ =	shalt  }
0x77: {  	_ =	shalt  }
0x78: {  	_ =	shalt  }
0x79: {  	_ =	shalt  }
0x7a: {  	_ =	shalt  }
0x7b: {  	_ =	shalt  }
0x7c: {  	_ =	shalt  }
0x7d: {  	_ =	shalt  }
0x7e: {  	_ =	shalt  }
0x7f: {  	_ =	shalt  }
0x80: {  	_ =	shalt  }
0x81: {  	_ =	shalt  }
0x82: {  	_ =	shalt  }
0x83: {  	_ =	shalt  }
0x84: {  	_ =	shalt  }
0x85: {  	_ =	shalt  }
0x86: {  	_ =	shalt  }
0x87: {  	_ =	shalt  }
.Lfunc_end0:
.L_simem_size_0:
called_computation.3_lowered:
.L_overlay_start_0:
0x88: {  	s2 =	sld [smem:$0x3FD9]  }
0x89: {  	s3 =	sld [smem:$0x3FFE];
	_ =	sdelay $0x1  }
0x8a: {  	s1 =	srdreg.scid  }
0x8b: {  	s0 =	sand.u32 $0x1, s1  }
0x8c: {  	s14 =	sshll.u32 s0, $0xA;
	s2 =	sadd.s32 s3, s2  }
0x8d: {  	s2 =	sadd.s32 s2, s14  }
0x8e: {  	[smem:$0x3FB6] =	sst s2  }
0x8f: {  	_ = 	snop  }
0x90: {  	s2 =	sld [smem:$0x3FD0];
	_ =	sdelay $0x2  }
0x91: {  	s15 =	simm.s32 $0xA;
	s4 =	simm.s32 $0x10  }
0x92: {  	[smem:s4], [sflag:s15] =	dma.local [hbm:s2], $0x1  }
0x93: {  	_ =	swait.eq [sflag:s15], $0x1  }
0x94: {  	[sflag:s15] =	ssyncset.done $0x0  }
0x95: {  	[sflag:s15] =	ssyncadd.s32 $0xFFFFFFFF  }
0x96: {  	s16 =	sld [smem:$0x11];
	(tm) =	ssettm $0x1  }
0x97: {  	s17 =	sld [smem:$0x3FFB];
	_ =	sdelay $0x3  }
0x98: {  	_ =	strace s17  }
0x99: {  	s3 =	sld [smem:$0x3FFC];
	_ =	sdelay $0x3  }
0x9a: {  	_ =	strace s3  }
0x9b: {  	s3 =	sld [smem:$0x3FFD];
	_ =	sdelay $0x3  }
0x9c: {  	_ =	strace s3  }
0x9d: {  	_ =	strace $0x8FFFFFFF  }
0x9e: {  	s18 =	sld [smem:$0x3FDB];
	_ =	sdelay $0x1  }
0x9f: {  	s19 =	simm.s32 $_scs_section_size  }
0xa0: {  	s5 =	simm.s32 $_size__tile_overlayer_lowered;
	s6 =	simm.s32 $_tile_overlayer_lowered  }
0xa1: {  	s22 =	simm.s32 $0x1BFF;
	s21 =	sshll.u32 s6, $0x1;
	s3 =	sadd.s32 s19, s18  }
0xa2: {  	s7 =	simm.s32 $0x0;
	s20 =	sshll.u32 s5, $0x1;
	s5 =	sadd.s32 s21, s3  }
0xa3: {  	[timem:s7], [sflag:s22] =	dma.local [hbm:s5], s20  }
0xa4: {  	_ =	swait.ge [sflag:s22], s20  }
0xa5: {  	s4 =	ssub.s32 $0x0, s20;
	[sflag:s22] =	ssyncset.done $0x0  }
0xa6: {  	[sflag:s22] =	ssyncadd.s32 s4;
	_ =	sdelay $0x1  }
0xa7: {  	s23 =	simm.s32 $0x1B8B  }
0xa8: {  	_ =	swait.ge [sflag:s23], $0x1  }
0xa9: {  	[sflag:s23] =	ssyncset.done $0x0  }
0xaa: {  	s25 =	simm.s32 $0x1B8E;
	s24 =	sld [smem:$0x3FFE];
	[sflag:s23] =	ssyncadd.s32 $0xFFFFFFFF  }
0xab: {  	s26 =	simm.s32 $execute0_lowered;
	[smem:$0x3FD2] =	sst s25  }
0xac: {  	s5 =	sshll.u32 s26, $0x1;
	_ =	strace $0x8000004F;
	[dreg:$0x1] =	wrdreg $0xFFFFFFFF  }
0xad: {  	s28 =	simm.s32 $_size_execute0_lowered;
	s3 =	sadd.s32 s3, s5;
	[dreg:$0x0] =	wrdreg $0x0  }
0xae: {  	s5 =	sshll.u32 s28, $0x1;
	[dreg:$0x2] =	wrdreg s3  }
0xaf: {  	[dreg:$0x3] =	wrdreg s5  }
0xb0: {  	[dreg:$0x4] =	wrdreg $0xC0  }
0xb1: {  	_ =	task [dreg:s7], $0x5FFFF  }
0xb2: {  	[dreg:$0x1] =	wrdreg $0xFFFFFFFF  }
0xb3: {  	[dreg:$0x0] =	wrdreg $0x60  }
0xb4: {  	[dreg:$0x2] =	wrdreg s24  }
0xb5: {  	[dreg:$0x3] =	wrdreg s16  }
0xb6: {  	[dreg:$0x4] =	wrdreg $0x9  }
0xb7: {  	_ =	task.clear_ibuf [dreg:s7], $0x5FFFF;
	_ =	strace $0x9000004F  }
0xb8: {  	s29 =	simm.s32 $0x9;
	_ =	strace $0x80000051  }
0xb9: {  	_ =	swait.ge [sflag:s29], $0x1  }
0xba: {  	[sflag:s29] =	ssyncadd.s32 $0xFFFFFFFF  }
0xbb: {  	_ =	strace $0x90000051  }
0xbc: {  	_ =	sfence  }
0xbd: {  	s30 =	sld [smem:$0x0];
	_ =	sdelay $0x2  }
0xbe: {  	s31 =	sshll.u32 s1, $0xD;
	s1 =	sshrl.u32 s1, $0x2  }
0xbf: {  	s3 =	sand.u32 $0x4000, s31;
	s1 =	sadd.s32 s1, s30  }
0xc0: {  	s0 =	sor.u32 s3, s0;
	s1 =	sshll.u32 s1, $0x11  }
0xc1: {  	s0 =	sor.u32 s1, s0  }
0xc2: {  	s0 =	sadd.s32 $0x8F2B, s0  }
0xc3: {  	[sflag:s0] =	ssyncadd.remote.s32 $0x1  }
0xc4: {  	_ =	sfence.sel $0xFFFF  }
0xc5: {  	[dreg:$0x0] =	wrdreg $0xFFFFFFFF;
	(pc) =	sbr.abs _section_cstart, $3  }
0xc6: {  	[dreg:$0x1] =	wrdreg $0xFFFFFFFF  }
0xc7: {  	_ =	task.clear_ibuf [dreg:s7], $0x2FFFF;
	_ =	strace $0x9FFFFFFF  }
0xc8: {  	(tm) =	ssettm $0x7FFFFFFF  }
0xc9: {  	_ =	shalt  }
tec
execute0_lowered:
.L_overlay_start_1:
0x0: {  	(tag) =	ssettag $0x1  }
0x1: {  	s1 =	srdreg.scid;
	s0 =	stileid.u32  }
0x2: {  	s7 =	rddreg [dreg:$0x0];
	s6 =	sand.u32 $0x1, s1;
	s30 =	sshll.u32 s0, $0x1  }
0x3: {  	s3 =	rddreg [dreg:$0x1];
	s2 =	simm.s32 $0x0;
	s4 =	sor.u32 s6, s30  }
0x4: {  	[smem:$0x7FF] =	sst s2;
	s8 =	smul.u32 $0x1388, s4  }
0x5: {  	s1 =	rddreg [dreg:$0x2];
	_ =	strace $0x80000050  }
0x6: {  	s9 =	ssub.s32 $0x2, s6;
	s4 =	sadd.s32 s3, s8;
	s3 =	simm.s32 $0x1  }
0x7: {  	[tilespmem:s2], [sflag:$0x1] =	stream.linear.gather [hbm4b:s4+s2], $0x9C40, $0x38;
	[tilespmem:$0x16080] =	vst v63  }
0x8: {  	s5 =	sadd.s32 $0x5A00, s7;
	s31 =	sshrl.u32 s9, $0x1;
	_ =	swait.ge [sflag:s3], $0x9C40  }
0x9: {  	s7 =	sadd.s32 s8, s7;
	s8 =	ssub.s32 s9, s31;
	[sflag:s3] =	ssyncset.done $0x0  }
0xa: {  	s6 =	simm.s32 $0x13900;
	s9 =	smax.u32 s8, $0x1;
	[sflag:s3] =	ssyncadd.s32 $0xFFFF63C0  }
0xb: {  	[tilespmem:s6], [sflag:$0x1] =	stream.linear.gather [hbm4b:s5+s2], $0x2710, $0x38;
	[tilespmem:$0x16080] =	vst v63  }
0xc: {  	p0 =	sne.s32 s9, $0x1;
	_ =	swait.ge [sflag:s3], $0x2710  }
.Ltmp0:
0xd: {  	[sflag:s3] =	ssyncset.done $0x0;
	(pc) =	sbr.rel @!p0 .LBB2_2-.Ltmp0, $4  }
0xe: {  	s7 =	sadd.s32 $0xF800, s7;
	s8 =	simm.s32 $0x9C80;
	[sflag:s3] =	ssyncadd.s32 $0xFFFFD8F0  }
0xf: {  	[hbm4b:s7+s2] =	stream.linear.scatter [tilespmem:s8], [sflag:$0x1], $0x9C40, $0x38;
	[tilespmem:$0x16080] =	vst v63  }
0x10: {  	_ =	swait.ge [sflag:s3], $0x9C40  }
0x11: {  	s9 =	sadd.s32 $0xFFFFFFFF, s9;
	[sflag:s3] =	ssyncset.done $0x0  }
.LBB2_1:
0x12: {  	p0 =	sne.s32 s9, $0x1;
	s9 =	sadd.s32 $0xFFFFFFFF, s9;
	[sflag:s3] =	ssyncadd.s32 $0xFFFF63C0  }
0x13: {  	[tilespmem:s2], [sflag:$0x1] =	stream.linear.gather [hbm4b:s4+s2], $0x9C40, $0x38;
	[tilespmem:$0x16080] =	vst v63  }
0x14: {  	_ =	swait.ge [sflag:s3], $0x9C40  }
0x15: {  	[sflag:s3] =	ssyncset.done $0x0  }
0x16: {  	[sflag:s3] =	ssyncadd.s32 $0xFFFF63C0  }
0x17: {  	[tilespmem:s6], [sflag:$0x1] =	stream.linear.gather [hbm4b:s5+s2], $0x2710, $0x38;
	[tilespmem:$0x16080] =	vst v63  }
0x18: {  	_ =	swait.ge [sflag:s3], $0x2710  }
.Ltmp1:
0x19: {  	[sflag:s3] =	ssyncset.done $0x0;
	(pc) =	sbr.rel @p0 .LBB2_1-.Ltmp1, $4  }
0x1a: {  	[sflag:s3] =	ssyncadd.s32 $0xFFFFD8F0  }
0x1b: {  	[hbm4b:s7+s2] =	stream.linear.scatter [tilespmem:s8], [sflag:$0x1], $0x9C40, $0x38;
	[tilespmem:$0x16080] =	vst v63  }
0x1c: {  	_ =	swait.ge [sflag:s3], $0x9C40  }
0x1d: {  	[sflag:s3] =	ssyncset.done $0x0  }
.LBB2_2:
0x1e: {  	[sflag:s3] =	ssyncadd.s32 $0xFFFF63C0  }
0x1f: {  	_ =	sfence.sel $0x180000  }
0x20: {  	[bflag:$0x0] =	sbarrier.arrive $0xFFFF  }
0x21: {  	p0 =	sne.s32 s0, $0x0;
	_ =	strace $0x90000050  }
0x22: {  	s0 =	sadd.s32 @!p0 $0x100000, s1;
	[bflag:$0x2] =	sbarrier.arrive $0xFFFF  }
0x23: {  	[sflag:s0] =	ssyncadd.tile.s32 @!p0 $0x1;
	_ =	shalt  }
.Lfunc_end2:
_tile_overlayer_lowered:
.L_overlay_start_2:
0x24: {  	(tag) =	ssettag $0x2  }
0x25: {  	s0 =	rddreg [dreg:$0x0];
	s2 =	stileid.u32  }
0x26: {  	s1 =	rddreg [dreg:$0x1];
	p0 =	sne.s32 s2, $0x0  }
0x27: {  	s3 =	rddreg [dreg:$0x2];
	[bflag:$0x3] =	sbarrier.arrive $0xFFFF;
	s2 =	simm.s32 @!p0 $0x1C01  }
0x28: {  	[timem:s3], [sflag:s2] =	dma.local @!p0 [hbm:s0], s1  }
0x29: {  	s0 =	simm.s32 @!p0 $0x1  }
0x2a: {  	_ =	swait.ge @!p0 [sflag:s0], s1  }
0x2b: {  	s1 =	ssub.s32 @!p0 $0x0, s1;
	[sflag:s0] =	ssyncset.done @!p0 $0x0  }
0x2c: {  	[sflag:s0] =	ssyncadd.s32 @!p0 s1  }
0x2d: {  	[bflag:$0x3] =	sbarrier.arrive $0xFFFF  }
0x2e: {  	_ =	shalt  }

</sc_bundles>
